<compile_context>
chip_gen: v7x
topology: tpu7x:2x2x1
jax: 0.10.2.dev20260603
libtpu: 0.0.44.dev20260713+nightly
codegen_flags: <defaults>
</compile_context>

<pallas_src>
import functools

import jax
import jax.numpy as jnp
from jax import lax
from jax.experimental import pallas as pl
from jax.experimental.pallas import tpu as pltpu
from jax.experimental.pallas import tpu_sc as plsc


def kernel(in_features, neighbors_index, neighbors_row_splits):
    N, C = in_features.shape
    E = neighbors_index.shape[0]
    M = neighbors_row_splits.shape[0] - 1

    info = plsc.get_sparse_core_info()
    NCORES, NSUB = info.num_cores, info.num_subcores
    NW = NCORES * NSUB
    MPW = -(-((M + NW - 1) // NW) // 8) * 8
    MLAST = M - (NW - 1) * MPW
    G = 32
    R = 8
    W = 4
    BLK = 2048
    LAN = 16
    KC = C // LAN

    RSBUF = ((MPW + 2 + 7 + 15 + 7) // 8) * 8
    idx32 = jnp.pad(neighbors_index.astype(jnp.int32), (0, BLK + G + 8))
    rs32 = jnp.pad(neighbors_row_splits.astype(jnp.int32), (0, RSBUF),
                   constant_values=E)

    mesh = plsc.VectorSubcoreMesh(core_axis_name="c", subcore_axis_name="s")

    @functools.partial(
        pl.kernel,
        mesh=mesh,
        out_type=jax.ShapeDtypeStruct((M, C), jnp.float32),
        scratch_types=[
            pltpu.VMEM((RSBUF,), jnp.int32),
            pltpu.VMEM((BLK,), jnp.int32),
            pltpu.VMEM((R, G, C), jnp.float32),
            pltpu.VMEM((W * C,), jnp.float32),
            pltpu.SemaphoreType.DMA((R,)),
            pltpu.SemaphoreType.DMA((W,)),
        ],
    )
    def pool(feat_hbm, idx_hbm, rs_hbm, out_hbm,
             rs_v, blk_v, g_v, row_v, gsem, wsem):
        wid = lax.axis_index("s") * NCORES + lax.axis_index("c")
        m0 = pl.multiple_of(wid * MPW, 8)
        mcount = jnp.minimum(MPW, M - m0)
        rs_astart = pl.multiple_of((m0 // 8) * 8, 8)
        rs_off = m0 - rs_astart
        pltpu.sync_copy(rs_hbm.at[pl.ds(rs_astart, RSBUF)], rs_v)

        def rs_at(i):
            return rs_v[pl.ds(rs_off + i, LAN)][0]

        e0 = rs_at(0)
        eN = rs_at(mcount)
        gstart = pl.multiple_of((e0 // 8) * 8, 8)
        nchunks = (eN - gstart + G - 1) // G
        nevents = nchunks + mcount

        zero = jnp.zeros((LAN,), jnp.float32)
        zeros_kc = (zero,) * KC

        def issue_gather(off, slot_ds):
            for h in range(G // LAN):
                idxv = blk_v[pl.ds(off + h * LAN, LAN)]
                pltpu.async_copy(feat_hbm.at[idxv],
                                 g_v.at[slot_ds, pl.ds(h * LAN, LAN)],
                                 gsem.at[slot_ds])

        @pl.when(nchunks > 0)
        def _():
            pltpu.sync_copy(idx_hbm.at[pl.ds(gstart, BLK)], blk_v)
            for i in range(R - 1):
                @pl.when(nchunks > i)
                def _(i=i):
                    issue_gather(i * G, i)
            pltpu.make_async_copy(feat_hbm.at[pl.ds(0, G)], g_v.at[0],
                                  gsem.at[0]).wait()

        def event(_, st):
            c, cur, m, seg_start, seg_end, bstart, accs = st
            p = lax.rem(c, R)
            cs = gstart + c * G
            cend = jnp.minimum(cs + G, eN)

            take = jnp.maximum(jnp.minimum(seg_end, cend) - cur, 0)
            lo = cur - cs

            def edge_body(e, a):
                return tuple(a[k] + g_v[p, e, pl.ds(k * LAN, LAN)]
                             for k in range(KC))

            accs = lax.fori_loop(lo, lo + take, edge_body, accs)
            cur = cur + take

            hit = jnp.logical_and(cur >= seg_end, m < mcount)
            adv = jnp.logical_and(jnp.logical_not(hit),
                                  jnp.logical_and(cur >= cend,
                                                  c + 1 < nchunks))

            @pl.when(hit)
            def _():
                ws2 = lax.rem(m, W)
                rbase = pl.multiple_of(ws2 * C, C)
                rslice = row_v.at[pl.ds(rbase, C)]

                @pl.when(m >= W)
                def _():
                    pltpu.make_async_copy(out_hbm.at[m0], rslice,
                                          wsem.at[ws2]).wait()

                cnt = seg_end - seg_start
                cntv = jnp.full((LAN,), cnt.astype(jnp.float32))
                recip = 1.0 / jnp.maximum(cntv, 1.0)
                for k in range(KC):
                    row_v[pl.ds(rbase + k * LAN, LAN)] = accs[k] * recip
                pltpu.async_copy(rslice, out_hbm.at[m0 + m], wsem.at[ws2])

            issue = jnp.logical_and(adv, c + R - 1 < nchunks)
            naddr = pl.multiple_of(gstart + (c + R - 1) * G, 8)
            restage = jnp.logical_and(issue, naddr + G > bstart + BLK)
            nbstart = jnp.where(restage, naddr, bstart)

            @pl.when(adv)
            def _():
                @pl.when(issue)
                def _():
                    @pl.when(restage)
                    def _():
                        pltpu.sync_copy(idx_hbm.at[pl.ds(naddr, BLK)], blk_v)

                    issue_gather(naddr - nbstart, lax.rem(c + R - 1, R))

                ws = lax.rem(c + 1, R)
                pltpu.make_async_copy(feat_hbm.at[pl.ds(0, G)],
                                      g_v.at[ws], gsem.at[ws]).wait()

            nm = jnp.where(hit, m + 1, m)
            seg_start = jnp.where(hit, seg_end, seg_start)
            seg_end = jnp.where(hit, rs_at(nm + 1), seg_end)
            accs = tuple(jnp.where(hit, zero, a) for a in accs)
            c = jnp.where(adv, c + 1, c)
            return (c, cur, nm, seg_start, seg_end, nbstart, accs)

        st0 = (jnp.int32(0), e0, jnp.int32(0), e0, rs_at(1),
               gstart, zeros_kc)
        lax.fori_loop(0, nevents, event, st0)

        for i in range(W):
            @pl.when(mcount > i)
            def _(i=i):
                ds = lax.rem(mcount - 1 - i, W)
                dbase = pl.multiple_of(ds * C, C)
                pltpu.make_async_copy(out_hbm.at[m0],
                                      row_v.at[pl.ds(dbase, C)],
                                      wsem.at[ds]).wait()

    return pool(in_features, idx32, rs32)

# --- scband reference (transcript-rebuilt; emitter-appended) ---
"""Pipeline reference for scband-neighbor-pooling-layer-90357521973574 (READ-ONLY COPY).

The authoritative reference and input builder live on the scoring server;
editing this copy changes nothing except your own understanding.
"""

import jax, jax.numpy as jnp
import numpy as np

N = 10000
C = 256
E = 160000
M = 10000


def setup_inputs(seed: int = 0) -> dict:
    key = jax.random.key(seed)
    k1, k2, k3 = jax.random.split(key, 3)
    in_features = jax.random.normal(k1, (N, C), dtype=jnp.float32)
    neighbors_index = jax.random.randint(k2, (E,), 0, N, dtype=jnp.int64)
    # row_splits: CSR-style offsets for M output rows; must start at 0 and end at E
    interior = jnp.sort(jax.random.randint(k3, (M - 1,), 0, E, dtype=jnp.int64))
    neighbors_row_splits = jnp.concatenate([
        jnp.array([0], dtype=jnp.int64),
        interior,
        jnp.array([E], dtype=jnp.int64),
    ])
    return {
        "in_features": in_features,
        "neighbors_index": neighbors_index,
        "neighbors_row_splits": neighbors_row_splits,
    }


def reference(in_features, neighbors_index, neighbors_row_splits):
    # rep_features = in_features[neighbors.neighbors_index.long()]
    rep_features = jnp.take(in_features, neighbors_index, axis=0)  # [E, C]
    num_segments = neighbors_row_splits.shape[0] - 1
    # segment id for each gathered row derived from CSR row_splits
    positions = jnp.arange(rep_features.shape[0])
    seg_ids = jnp.searchsorted(neighbors_row_splits, positions, side="right") - 1
    # row_reduction with reduction='mean': segment sum / segment count
    sums = jax.ops.segment_sum(rep_features, seg_ids, num_segments=num_segments)  # [M, C]
    counts = (neighbors_row_splits[1:] - neighbors_row_splits[:-1]).astype(rep_features.dtype)
    out_features = sums / jnp.maximum(counts, 1.0)[:, None]
    return out_features

if __name__ == "__main__":
    import jax
    _d = setup_inputs()
    print(jax.jit(kernel)(*tuple(_d.values())))

</pallas_src>

<mosaic_0001>
#map = affine_map<(d0, d1) -> (0, 0)>
#map1 = affine_map<(d0, d1) -> (0)>
module attributes {stable_mosaic.version = 14 : i64} {
  func.func @pool(%arg0: i32, %arg1: i32, %arg2: memref<10000x256xf32, #tpu.memory_space<hbm>>, %arg3: memref<162088xi32, #tpu.memory_space<hbm>>, %arg4: memref<10345xi32, #tpu.memory_space<hbm>>, %arg5: memref<10000x256xf32, #tpu.memory_space<hbm>>, %arg6: memref<344xi32, #tpu.memory_space<vmem>>, %arg7: memref<2048xi32, #tpu.memory_space<vmem>>, %arg8: memref<8x32x256xf32, #tpu.memory_space<vmem>>, %arg9: memref<1024xf32, #tpu.memory_space<vmem>>, %arg10: memref<8x!tpu.dma_semaphore, #tpu.memory_space<semaphore_mem>>, %arg11: memref<4x!tpu.dma_semaphore, #tpu.memory_space<semaphore_mem>>) attributes {dimension_semantics = [#tpu.dimension_semantics<core_parallel>, #tpu.dimension_semantics<subcore_parallel>], iteration_bounds = array<i64: 2, 16>, scalar_prefetch = 0 : i64, scratch_operands = 6 : i64, tpu.core_type = #tpu.core_type<sc_vector_subcore>, window_params = [{transform_indices = #map}, {transform_indices = #map1}, {transform_indices = #map1}, {transform_indices = #map}]} {
    %mul3A = arith.constant 2 : i32
    %mul3A_0 = arith.muli %arg1, %mul3A : i32
    %add3A = arith.addi %mul3A_0, %arg0 : i32
    %mul3A_1 = arith.constant 320 : i32
    %mul3A_2 = arith.muli %add3A, %mul3A_1 : i32
    %multiple_of3A = tpu.assume_multiple %mul3A_2, 8 : i32
    %sub3A = arith.constant 10000 : i32
    %sub3A_3 = arith.subi %sub3A, %multiple_of3A : i32
    %min3A = arith.constant 320 : i32
    %min3A_4 = arith.minsi %min3A, %sub3A_3 : i32
    %jit3A = arith.constant 8 : i32
    %div3A = arith.divsi %multiple_of3A, %jit3A : i32
    %sign3A = arith.constant 0 : i32
    %sign3A_5 = arith.cmpi sgt, %multiple_of3A, %sign3A : i32
    %sign3A_6 = arith.extui %sign3A_5 : i1 to i32
    %sign3A_7 = arith.constant 0 : i32
    %sign3A_8 = arith.cmpi slt, %multiple_of3A, %sign3A_7 : i32
    %sign3A_9 = arith.extui %sign3A_8 : i1 to i32
    %sign3A_10 = arith.subi %sign3A_6, %sign3A_9 : i32
    %sign3A_11 = arith.constant 0 : i32
    %sign3A_12 = arith.cmpi sgt, %jit3A, %sign3A_11 : i32
    %sign3A_13 = arith.extui %sign3A_12 : i1 to i32
    %sign3A_14 = arith.constant 0 : i32
    %sign3A_15 = arith.cmpi slt, %jit3A, %sign3A_14 : i32
    %sign3A_16 = arith.extui %sign3A_15 : i1 to i32
    %sign3A_17 = arith.subi %sign3A_13, %sign3A_16 : i32
    %ne3A = arith.cmpi ne, %sign3A_10, %sign3A_17 : i32
    %rem3A = arith.remsi %multiple_of3A, %jit3A : i32
    %ne3A_18 = arith.constant 0 : i32
    %ne3A_19 = arith.cmpi ne, %rem3A, %ne3A_18 : i32
    %and3A = arith.andi %ne3A, %ne3A_19 : i1
    %sub3A_20 = arith.constant 1 : i32
    %sub3A_21 = arith.subi %div3A, %sub3A_20 : i32
    %select_n3A = arith.select %and3A, %sub3A_21, %div3A : i32
    %mul3A_22 = arith.constant 8 : i32
    %mul3A_23 = arith.muli %select_n3A, %mul3A_22 : i32
    %multiple_of3A_24 = tpu.assume_multiple %mul3A_23, 8 : i32
    %sub3A_25 = arith.subi %multiple_of3A, %multiple_of3A_24 : i32
    "tpu.region"() ({
      %run_scoped3A = tpu.sem_alloc : memref<!tpu.dma_semaphore, #tpu.memory_space<semaphore_mem>>
      %dma_start3A = tpu.memref_slice %arg4[%multiple_of3A_24] : memref<10345xi32, #tpu.memory_space<hbm>> -> memref<344xi32, #tpu.memory_space<hbm>>
      %dma_start3A_135 = tpu.memref_slice %arg4[%multiple_of3A_24] : memref<10345xi32, #tpu.memory_space<hbm>> -> memref<344xi32, #tpu.memory_space<hbm>>
      tpu.enqueue_dma source(%dma_start3A_135 : memref<344xi32, #tpu.memory_space<hbm>>) target(%arg6 : memref<344xi32, #tpu.memory_space<vmem>>) target_semaphore(%run_scoped3A : memref<!tpu.dma_semaphore, #tpu.memory_space<semaphore_mem>>)
      %dma_wait3A = tpu.memref_slice %arg4[%multiple_of3A_24] : memref<10345xi32, #tpu.memory_space<hbm>> -> memref<344xi32, #tpu.memory_space<hbm>>
      %dma_wait3A_136 = tpu.memref_slice %arg4[%multiple_of3A_24] : memref<10345xi32, #tpu.memory_space<hbm>> -> memref<344xi32, #tpu.memory_space<hbm>>
      tpu.wait_dma2 semaphore(%run_scoped3A : memref<!tpu.dma_semaphore, #tpu.memory_space<semaphore_mem>>) src(%dma_wait3A_136 : memref<344xi32, #tpu.memory_space<hbm>>) dst(%arg6 : memref<344xi32, #tpu.memory_space<vmem>>)
      tpu.yield
    }) : () -> ()
    %add3A_26 = arith.constant 0 : i32
    %add3A_27 = arith.addi %sub3A_25, %add3A_26 : i32
    %get3A = arith.index_cast %add3A_27 : i32 to index
    %get3A_28 = tpu.vector_load %arg6[%get3A] {strides = array<i32>} : memref<344xi32, #tpu.memory_space<vmem>>, vector<16xi32>,
    %get3A_29 = vector.shape_cast %get3A_28 : vector<16xi32> to vector<16xi32>
    %slice3A = vector.extract_strided_slice %get3A_29 {offsets = [0], sizes = [1], strides = [1]} : vector<16xi32> to vector<1xi32>
    %squeeze3A = vector.extract %slice3A[0] : i32 from vector<1xi32>
    %add3A_30 = arith.addi %sub3A_25, %min3A_4 : i32
    %get3A_31 = arith.index_cast %add3A_30 : i32 to index
    %get3A_32 = tpu.vector_load %arg6[%get3A_31] {strides = array<i32>} : memref<344xi32, #tpu.memory_space<vmem>>, vector<16xi32>,
    %get3A_33 = vector.shape_cast %get3A_32 : vector<16xi32> to vector<16xi32>
    %slice3A_34 = vector.extract_strided_slice %get3A_33 {offsets = [0], sizes = [1], strides = [1]} : vector<16xi32> to vector<1xi32>
    %squeeze3A_35 = vector.extract %slice3A_34[0] : i32 from vector<1xi32>
    %jit3A_36 = arith.constant 8 : i32
    %div3A_37 = arith.divsi %squeeze3A, %jit3A_36 : i32
    %sign3A_38 = arith.constant 0 : i32
    %sign3A_39 = arith.cmpi sgt, %squeeze3A, %sign3A_38 : i32
    %sign3A_40 = arith.extui %sign3A_39 : i1 to i32
    %sign3A_41 = arith.constant 0 : i32
    %sign3A_42 = arith.cmpi slt, %squeeze3A, %sign3A_41 : i32
    %sign3A_43 = arith.extui %sign3A_42 : i1 to i32
    %sign3A_44 = arith.subi %sign3A_40, %sign3A_43 : i32
    %sign3A_45 = arith.constant 0 : i32
    %sign3A_46 = arith.cmpi sgt, %jit3A_36, %sign3A_45 : i32
    %sign3A_47 = arith.extui %sign3A_46 : i1 to i32
    %sign3A_48 = arith.constant 0 : i32
    %sign3A_49 = arith.cmpi slt, %jit3A_36, %sign3A_48 : i32
    %sign3A_50 = arith.extui %sign3A_49 : i1 to i32
    %sign3A_51 = arith.subi %sign3A_47, %sign3A_50 : i32
    %ne3A_52 = arith.cmpi ne, %sign3A_44, %sign3A_51 : i32
    %rem3A_53 = arith.remsi %squeeze3A, %jit3A_36 : i32
    %ne3A_54 = arith.constant 0 : i32
    %ne3A_55 = arith.cmpi ne, %rem3A_53, %ne3A_54 : i32
    %and3A_56 = arith.andi %ne3A_52, %ne3A_55 : i1
    %sub3A_57 = arith.constant 1 : i32
    %sub3A_58 = arith.subi %div3A_37, %sub3A_57 : i32
    %select_n3A_59 = arith.select %and3A_56, %sub3A_58, %div3A_37 : i32
    %mul3A_60 = arith.constant 8 : i32
    %mul3A_61 = arith.muli %select_n3A_59, %mul3A_60 : i32
    %multiple_of3A_62 = tpu.assume_multiple %mul3A_61, 8 : i32
    %sub3A_63 = arith.subi %squeeze3A_35, %multiple_of3A_62 : i32
    %add3A_64 = arith.constant 32 : i32
    %add3A_65 = arith.addi %sub3A_63, %add3A_64 : i32
    %sub3A_66 = arith.constant 1 : i32
    %sub3A_67 = arith.subi %add3A_65, %sub3A_66 : i32
    %jit3A_68 = arith.constant 32 : i32
    %div3A_69 = arith.divsi %sub3A_67, %jit3A_68 : i32
    %sign3A_70 = arith.constant 0 : i32
    %sign3A_71 = arith.cmpi sgt, %sub3A_67, %sign3A_70 : i32
    %sign3A_72 = arith.extui %sign3A_71 : i1 to i32
    %sign3A_73 = arith.constant 0 : i32
    %sign3A_74 = arith.cmpi slt, %sub3A_67, %sign3A_73 : i32
    %sign3A_75 = arith.extui %sign3A_74 : i1 to i32
    %sign3A_76 = arith.subi %sign3A_72, %sign3A_75 : i32
    %sign3A_77 = arith.constant 0 : i32
    %sign3A_78 = arith.cmpi sgt, %jit3A_68, %sign3A_77 : i32
    %sign3A_79 = arith.extui %sign3A_78 : i1 to i32
    %sign3A_80 = arith.constant 0 : i32
    %sign3A_81 = arith.cmpi slt, %jit3A_68, %sign3A_80 : i32
    %sign3A_82 = arith.extui %sign3A_81 : i1 to i32
    %sign3A_83 = arith.subi %sign3A_79, %sign3A_82 : i32
    %ne3A_84 = arith.cmpi ne, %sign3A_76, %sign3A_83 : i32
    %rem3A_85 = arith.remsi %sub3A_67, %jit3A_68 : i32
    %ne3A_86 = arith.constant 0 : i32
    %ne3A_87 = arith.cmpi ne, %rem3A_85, %ne3A_86 : i32
    %and3A_88 = arith.andi %ne3A_84, %ne3A_87 : i1
    %sub3A_89 = arith.constant 1 : i32
    %sub3A_90 = arith.subi %div3A_69, %sub3A_89 : i32
    %select_n3A_91 = arith.select %and3A_88, %sub3A_90, %div3A_69 : i32
    %add3A_92 = arith.addi %select_n3A_91, %min3A_4 : i32
    %broadcast_in_dim3A = arith.constant 0.000000e+00 : f32
    %broadcast_in_dim3A_93 = vector.broadcast %broadcast_in_dim3A : f32 to vector<16xf32>
    %gt3A = arith.constant 0 : i32
    %gt3A_94 = arith.cmpi sgt, %select_n3A_91, %gt3A : i32
    %convert_element_type3A = arith.extui %gt3A_94 : i1 to i32
    %cond3A = arith.constant 0 : i32
    %cond3A_95 = arith.cmpi ne, %convert_element_type3A, %cond3A : i32
    scf.if %cond3A_95 {
      "tpu.region"() ({
        %run_scoped3A = tpu.sem_alloc : memref<!tpu.dma_semaphore, #tpu.memory_space<semaphore_mem>>
        %dma_start3A = tpu.memref_slice %arg3[%multiple_of3A_62] : memref<162088xi32, #tpu.memory_space<hbm>> -> memref<2048xi32, #tpu.memory_space<hbm>>
        %dma_start3A_187 = tpu.memref_slice %arg3[%multiple_of3A_62] : memref<162088xi32, #tpu.memory_space<hbm>> -> memref<2048xi32, #tpu.memory_space<hbm>>
        tpu.enqueue_dma source(%dma_start3A_187 : memref<2048xi32, #tpu.memory_space<hbm>>) target(%arg7 : memref<2048xi32, #tpu.memory_space<vmem>>) target_semaphore(%run_scoped3A : memref<!tpu.dma_semaphore, #tpu.memory_space<semaphore_mem>>)
        %dma_wait3A_188 = tpu.memref_slice %arg3[%multiple_of3A_62] : memref<162088xi32, #tpu.memory_space<hbm>> -> memref<2048xi32, #tpu.memory_space<hbm>>
        %dma_wait3A_189 = tpu.memref_slice %arg3[%multiple_of3A_62] : memref<162088xi32, #tpu.memory_space<hbm>> -> memref<2048xi32, #tpu.memory_space<hbm>>
        tpu.wait_dma2 semaphore(%run_scoped3A : memref<!tpu.dma_semaphore, #tpu.memory_space<semaphore_mem>>) src(%dma_wait3A_189 : memref<2048xi32, #tpu.memory_space<hbm>>) dst(%arg7 : memref<2048xi32, #tpu.memory_space<vmem>>)
        tpu.yield
      }) : () -> ()
      %gt3A_135 = arith.constant 0 : i32
      %gt3A_136 = arith.cmpi sgt, %select_n3A_91, %gt3A_135 : i32
      %convert_element_type3A_137 = arith.extui %gt3A_136 : i1 to i32
      %cond3A_138 = arith.constant 0 : i32
      %cond3A_139 = arith.cmpi ne, %convert_element_type3A_137, %cond3A_138 : i32
      scf.if %cond3A_139 {
        %get3A_187 = arith.constant 0 : index
        %get3A_188 = tpu.vector_load %arg7[%get3A_187] {strides = array<i32>} : memref<2048xi32, #tpu.memory_space<vmem>>, vector<16xi32>,
        %get3A_189 = vector.shape_cast %get3A_188 : vector<16xi32> to vector<16xi32>
        %dma_start3A = arith.constant 0 : i32
        %dma_start3A_190 = arith.constant 0 : i32
        %dma_start3A_191 = arith.constant 0 : i32
        %dma_start3A_192 = arith.constant 0 : i32
        %dma_start3A_193 = tpu.memref_slice %arg8[%dma_start3A, %dma_start3A_191, %dma_start3A_192] : memref<8x32x256xf32, #tpu.memory_space<vmem>> -> memref<1x16x256xf32, #tpu.memory_space<vmem>>
        %dma_start3A_194 = tpu.memref_squeeze %dma_start3A_193 : memref<1x16x256xf32, #tpu.memory_space<vmem>> -> memref<16x256xf32, #tpu.memory_space<vmem>>
        %dma_start3A_195 = arith.constant 0 : i32
        %dma_start3A_196 = arith.constant 0 : i32
        %dma_start3A_197 = tpu.memref_slice %arg2[%dma_start3A_195, %dma_start3A_196] : memref<10000x256xf32, #tpu.memory_space<hbm>> -> memref<10000x256xf32, #tpu.memory_space<hbm>>
        %dma_start3A_198 = tpu.memref_slice %arg10[%dma_start3A_190] : memref<8x!tpu.dma_semaphore, #tpu.memory_space<semaphore_mem>> -> memref<1x!tpu.dma_semaphore, #tpu.memory_space<semaphore_mem>>
        %dma_start3A_199 = tpu.memref_squeeze %dma_start3A_198 : memref<1x!tpu.dma_semaphore, #tpu.memory_space<semaphore_mem>> -> memref<!tpu.dma_semaphore, #tpu.memory_space<semaphore_mem>>
        tpu.enqueue_indirect_dma source(%dma_start3A_197 : memref<10000x256xf32, #tpu.memory_space<hbm>>) target(%dma_start3A_194 : memref<16x256xf32, #tpu.memory_space<vmem>>) offsets(%get3A_189 : vector<16xi32>) semaphore(%dma_start3A_199 : memref<!tpu.dma_semaphore, #tpu.memory_space<semaphore_mem>>)
        %get3A_200 = arith.constant 16 : index
        %get3A_201 = tpu.vector_load %arg7[%get3A_200] {strides = array<i32>} : memref<2048xi32, #tpu.memory_space<vmem>>, vector<16xi32>,
        %get3A_202 = vector.shape_cast %get3A_201 : vector<16xi32> to vector<16xi32>
        %dma_start3A_203 = arith.constant 0 : i32
        %dma_start3A_204 = arith.constant 0 : i32
        %dma_start3A_205 = arith.constant 16 : i32
        %dma_start3A_206 = arith.constant 0 : i32
        %dma_start3A_207 = tpu.memref_slice %arg8[%dma_start3A_203, %dma_start3A_205, %dma_start3A_206] : memref<8x32x256xf32, #tpu.memory_space<vmem>> -> memref<1x16x256xf32, #tpu.memory_space<vmem>>
        %dma_start3A_208 = tpu.memref_squeeze %dma_start3A_207 : memref<1x16x256xf32, #tpu.memory_space<vmem>> -> memref<16x256xf32, #tpu.memory_space<vmem>>
        %dma_start3A_209 = arith.constant 0 : i32
        %dma_start3A_210 = arith.constant 0 : i32
        %dma_start3A_211 = tpu.memref_slice %arg2[%dma_start3A_209, %dma_start3A_210] : memref<10000x256xf32, #tpu.memory_space<hbm>> -> memref<10000x256xf32, #tpu.memory_space<hbm>>
        %dma_start3A_212 = tpu.memref_slice %arg10[%dma_start3A_204] : memref<8x!tpu.dma_semaphore, #tpu.memory_space<semaphore_mem>> -> memref<1x!tpu.dma_semaphore, #tpu.memory_space<semaphore_mem>>
        %dma_start3A_213 = tpu.memref_squeeze %dma_start3A_212 : memref<1x!tpu.dma_semaphore, #tpu.memory_space<semaphore_mem>> -> memref<!tpu.dma_semaphore, #tpu.memory_space<semaphore_mem>>
        tpu.enqueue_indirect_dma source(%dma_start3A_211 : memref<10000x256xf32, #tpu.memory_space<hbm>>) target(%dma_start3A_208 : memref<16x256xf32, #tpu.memory_space<vmem>>) offsets(%get3A_202 : vector<16xi32>) semaphore(%dma_start3A_213 : memref<!tpu.dma_semaphore, #tpu.memory_space<semaphore_mem>>)
      } else {
      }
      %gt3A_140 = arith.constant 1 : i32
      %gt3A_141 = arith.cmpi sgt, %select_n3A_91, %gt3A_140 : i32
      %convert_element_type3A_142 = arith.extui %gt3A_141 : i1 to i32
      %cond3A_143 = arith.constant 0 : i32
      %cond3A_144 = arith.cmpi ne, %convert_element_type3A_142, %cond3A_143 : i32
      scf.if %cond3A_144 {
        %get3A_187 = arith.constant 32 : index
        %get3A_188 = tpu.vector_load %arg7[%get3A_187] {strides = array<i32>} : memref<2048xi32, #tpu.memory_space<vmem>>, vector<16xi32>,
        %get3A_189 = vector.shape_cast %get3A_188 : vector<16xi32> to vector<16xi32>
        %dma_start3A = arith.constant 1 : i32
        %dma_start3A_190 = arith.constant 1 : i32
        %dma_start3A_191 = arith.constant 0 : i32
        %dma_start3A_192 = arith.constant 0 : i32
        %dma_start3A_193 = tpu.memref_slice %arg8[%dma_start3A, %dma_start3A_191, %dma_start3A_192] : memref<8x32x256xf32, #tpu.memory_space<vmem>> -> memref<1x16x256xf32, #tpu.memory_space<vmem>>
        %dma_start3A_194 = tpu.memref_squeeze %dma_start3A_193 : memref<1x16x256xf32, #tpu.memory_space<vmem>> -> memref<16x256xf32, #tpu.memory_space<vmem>>
        %dma_start3A_195 = arith.constant 0 : i32
        %dma_start3A_196 = arith.constant 0 : i32
        %dma_start3A_197 = tpu.memref_slice %arg2[%dma_start3A_195, %dma_start3A_196] : memref<10000x256xf32, #tpu.memory_space<hbm>> -> memref<10000x256xf32, #tpu.memory_space<hbm>>
        %dma_start3A_198 = tpu.memref_slice %arg10[%dma_start3A_190] : memref<8x!tpu.dma_semaphore, #tpu.memory_space<semaphore_mem>> -> memref<1x!tpu.dma_semaphore, #tpu.memory_space<semaphore_mem>>
        %dma_start3A_199 = tpu.memref_squeeze %dma_start3A_198 : memref<1x!tpu.dma_semaphore, #tpu.memory_space<semaphore_mem>> -> memref<!tpu.dma_semaphore, #tpu.memory_space<semaphore_mem>>
        tpu.enqueue_indirect_dma source(%dma_start3A_197 : memref<10000x256xf32, #tpu.memory_space<hbm>>) target(%dma_start3A_194 : memref<16x256xf32, #tpu.memory_space<vmem>>) offsets(%get3A_189 : vector<16xi32>) semaphore(%dma_start3A_199 : memref<!tpu.dma_semaphore, #tpu.memory_space<semaphore_mem>>)
        %get3A_200 = arith.constant 48 : index
        %get3A_201 = tpu.vector_load %arg7[%get3A_200] {strides = array<i32>} : memref<2048xi32, #tpu.memory_space<vmem>>, vector<16xi32>,
        %get3A_202 = vector.shape_cast %get3A_201 : vector<16xi32> to vector<16xi32>
        %dma_start3A_203 = arith.constant 1 : i32
        %dma_start3A_204 = arith.constant 1 : i32
        %dma_start3A_205 = arith.constant 16 : i32
        %dma_start3A_206 = arith.constant 0 : i32
        %dma_start3A_207 = tpu.memref_slice %arg8[%dma_start3A_203, %dma_start3A_205, %dma_start3A_206] : memref<8x32x256xf32, #tpu.memory_space<vmem>> -> memref<1x16x256xf32, #tpu.memory_space<vmem>>
        %dma_start3A_208 = tpu.memref_squeeze %dma_start3A_207 : memref<1x16x256xf32, #tpu.memory_space<vmem>> -> memref<16x256xf32, #tpu.memory_space<vmem>>
        %dma_start3A_209 = arith.constant 0 : i32
        %dma_start3A_210 = arith.constant 0 : i32
        %dma_start3A_211 = tpu.memref_slice %arg2[%dma_start3A_209, %dma_start3A_210] : memref<10000x256xf32, #tpu.memory_space<hbm>> -> memref<10000x256xf32, #tpu.memory_space<hbm>>
        %dma_start3A_212 = tpu.memref_slice %arg10[%dma_start3A_204] : memref<8x!tpu.dma_semaphore, #tpu.memory_space<semaphore_mem>> -> memref<1x!tpu.dma_semaphore, #tpu.memory_space<semaphore_mem>>
        %dma_start3A_213 = tpu.memref_squeeze %dma_start3A_212 : memref<1x!tpu.dma_semaphore, #tpu.memory_space<semaphore_mem>> -> memref<!tpu.dma_semaphore, #tpu.memory_space<semaphore_mem>>
        tpu.enqueue_indirect_dma source(%dma_start3A_211 : memref<10000x256xf32, #tpu.memory_space<hbm>>) target(%dma_start3A_208 : memref<16x256xf32, #tpu.memory_space<vmem>>) offsets(%get3A_202 : vector<16xi32>) semaphore(%dma_start3A_213 : memref<!tpu.dma_semaphore, #tpu.memory_space<semaphore_mem>>)
      } else {
      }
      %gt3A_145 = arith.constant 2 : i32
      %gt3A_146 = arith.cmpi sgt, %select_n3A_91, %gt3A_145 : i32
      %convert_element_type3A_147 = arith.extui %gt3A_146 : i1 to i32
      %cond3A_148 = arith.constant 0 : i32
      %cond3A_149 = arith.cmpi ne, %convert_element_type3A_147, %cond3A_148 : i32
      scf.if %cond3A_149 {
        %get3A_187 = arith.constant 64 : index
        %get3A_188 = tpu.vector_load %arg7[%get3A_187] {strides = array<i32>} : memref<2048xi32, #tpu.memory_space<vmem>>, vector<16xi32>,
        %get3A_189 = vector.shape_cast %get3A_188 : vector<16xi32> to vector<16xi32>
        %dma_start3A = arith.constant 2 : i32
        %dma_start3A_190 = arith.constant 2 : i32
        %dma_start3A_191 = arith.constant 0 : i32
        %dma_start3A_192 = arith.constant 0 : i32
        %dma_start3A_193 = tpu.memref_slice %arg8[%dma_start3A, %dma_start3A_191, %dma_start3A_192] : memref<8x32x256xf32, #tpu.memory_space<vmem>> -> memref<1x16x256xf32, #tpu.memory_space<vmem>>
        %dma_start3A_194 = tpu.memref_squeeze %dma_start3A_193 : memref<1x16x256xf32, #tpu.memory_space<vmem>> -> memref<16x256xf32, #tpu.memory_space<vmem>>
        %dma_start3A_195 = arith.constant 0 : i32
        %dma_start3A_196 = arith.constant 0 : i32
        %dma_start3A_197 = tpu.memref_slice %arg2[%dma_start3A_195, %dma_start3A_196] : memref<10000x256xf32, #tpu.memory_space<hbm>> -> memref<10000x256xf32, #tpu.memory_space<hbm>>
        %dma_start3A_198 = tpu.memref_slice %arg10[%dma_start3A_190] : memref<8x!tpu.dma_semaphore, #tpu.memory_space<semaphore_mem>> -> memref<1x!tpu.dma_semaphore, #tpu.memory_space<semaphore_mem>>
        %dma_start3A_199 = tpu.memref_squeeze %dma_start3A_198 : memref<1x!tpu.dma_semaphore, #tpu.memory_space<semaphore_mem>> -> memref<!tpu.dma_semaphore, #tpu.memory_space<semaphore_mem>>
        tpu.enqueue_indirect_dma source(%dma_start3A_197 : memref<10000x256xf32, #tpu.memory_space<hbm>>) target(%dma_start3A_194 : memref<16x256xf32, #tpu.memory_space<vmem>>) offsets(%get3A_189 : vector<16xi32>) semaphore(%dma_start3A_199 : memref<!tpu.dma_semaphore, #tpu.memory_space<semaphore_mem>>)
        %get3A_200 = arith.constant 80 : index
        %get3A_201 = tpu.vector_load %arg7[%get3A_200] {strides = array<i32>} : memref<2048xi32, #tpu.memory_space<vmem>>, vector<16xi32>,
        %get3A_202 = vector.shape_cast %get3A_201 : vector<16xi32> to vector<16xi32>
        %dma_start3A_203 = arith.constant 2 : i32
        %dma_start3A_204 = arith.constant 2 : i32
        %dma_start3A_205 = arith.constant 16 : i32
        %dma_start3A_206 = arith.constant 0 : i32
        %dma_start3A_207 = tpu.memref_slice %arg8[%dma_start3A_203, %dma_start3A_205, %dma_start3A_206] : memref<8x32x256xf32, #tpu.memory_space<vmem>> -> memref<1x16x256xf32, #tpu.memory_space<vmem>>
        %dma_start3A_208 = tpu.memref_squeeze %dma_start3A_207 : memref<1x16x256xf32, #tpu.memory_space<vmem>> -> memref<16x256xf32, #tpu.memory_space<vmem>>
        %dma_start3A_209 = arith.constant 0 : i32
        %dma_start3A_210 = arith.constant 0 : i32
        %dma_start3A_211 = tpu.memref_slice %arg2[%dma_start3A_209, %dma_start3A_210] : memref<10000x256xf32, #tpu.memory_space<hbm>> -> memref<10000x256xf32, #tpu.memory_space<hbm>>
        %dma_start3A_212 = tpu.memref_slice %arg10[%dma_start3A_204] : memref<8x!tpu.dma_semaphore, #tpu.memory_space<semaphore_mem>> -> memref<1x!tpu.dma_semaphore, #tpu.memory_space<semaphore_mem>>
        %dma_start3A_213 = tpu.memref_squeeze %dma_start3A_212 : memref<1x!tpu.dma_semaphore, #tpu.memory_space<semaphore_mem>> -> memref<!tpu.dma_semaphore, #tpu.memory_space<semaphore_mem>>
        tpu.enqueue_indirect_dma source(%dma_start3A_211 : memref<10000x256xf32, #tpu.memory_space<hbm>>) target(%dma_start3A_208 : memref<16x256xf32, #tpu.memory_space<vmem>>) offsets(%get3A_202 : vector<16xi32>) semaphore(%dma_start3A_213 : memref<!tpu.dma_semaphore, #tpu.memory_space<semaphore_mem>>)
      } else {
      }
      %gt3A_150 = arith.constant 3 : i32
      %gt3A_151 = arith.cmpi sgt, %select_n3A_91, %gt3A_150 : i32
      %convert_element_type3A_152 = arith.extui %gt3A_151 : i1 to i32
      %cond3A_153 = arith.constant 0 : i32
      %cond3A_154 = arith.cmpi ne, %convert_element_type3A_152, %cond3A_153 : i32
      scf.if %cond3A_154 {
        %get3A_187 = arith.constant 96 : index
        %get3A_188 = tpu.vector_load %arg7[%get3A_187] {strides = array<i32>} : memref<2048xi32, #tpu.memory_space<vmem>>, vector<16xi32>,
        %get3A_189 = vector.shape_cast %get3A_188 : vector<16xi32> to vector<16xi32>
        %dma_start3A = arith.constant 3 : i32
        %dma_start3A_190 = arith.constant 3 : i32
        %dma_start3A_191 = arith.constant 0 : i32
        %dma_start3A_192 = arith.constant 0 : i32
        %dma_start3A_193 = tpu.memref_slice %arg8[%dma_start3A, %dma_start3A_191, %dma_start3A_192] : memref<8x32x256xf32, #tpu.memory_space<vmem>> -> memref<1x16x256xf32, #tpu.memory_space<vmem>>
        %dma_start3A_194 = tpu.memref_squeeze %dma_start3A_193 : memref<1x16x256xf32, #tpu.memory_space<vmem>> -> memref<16x256xf32, #tpu.memory_space<vmem>>
        %dma_start3A_195 = arith.constant 0 : i32
        %dma_start3A_196 = arith.constant 0 : i32
        %dma_start3A_197 = tpu.memref_slice %arg2[%dma_start3A_195, %dma_start3A_196] : memref<10000x256xf32, #tpu.memory_space<hbm>> -> memref<10000x256xf32, #tpu.memory_space<hbm>>
        %dma_start3A_198 = tpu.memref_slice %arg10[%dma_start3A_190] : memref<8x!tpu.dma_semaphore, #tpu.memory_space<semaphore_mem>> -> memref<1x!tpu.dma_semaphore, #tpu.memory_space<semaphore_mem>>
        %dma_start3A_199 = tpu.memref_squeeze %dma_start3A_198 : memref<1x!tpu.dma_semaphore, #tpu.memory_space<semaphore_mem>> -> memref<!tpu.dma_semaphore, #tpu.memory_space<semaphore_mem>>
        tpu.enqueue_indirect_dma source(%dma_start3A_197 : memref<10000x256xf32, #tpu.memory_space<hbm>>) target(%dma_start3A_194 : memref<16x256xf32, #tpu.memory_space<vmem>>) offsets(%get3A_189 : vector<16xi32>) semaphore(%dma_start3A_199 : memref<!tpu.dma_semaphore, #tpu.memory_space<semaphore_mem>>)
        %get3A_200 = arith.constant 112 : index
        %get3A_201 = tpu.vector_load %arg7[%get3A_200] {strides = array<i32>} : memref<2048xi32, #tpu.memory_space<vmem>>, vector<16xi32>,
        %get3A_202 = vector.shape_cast %get3A_201 : vector<16xi32> to vector<16xi32>
        %dma_start3A_203 = arith.constant 3 : i32
        %dma_start3A_204 = arith.constant 3 : i32
        %dma_start3A_205 = arith.constant 16 : i32
        %dma_start3A_206 = arith.constant 0 : i32
        %dma_start3A_207 = tpu.memref_slice %arg8[%dma_start3A_203, %dma_start3A_205, %dma_start3A_206] : memref<8x32x256xf32, #tpu.memory_space<vmem>> -> memref<1x16x256xf32, #tpu.memory_space<vmem>>
        %dma_start3A_208 = tpu.memref_squeeze %dma_start3A_207 : memref<1x16x256xf32, #tpu.memory_space<vmem>> -> memref<16x256xf32, #tpu.memory_space<vmem>>
        %dma_start3A_209 = arith.constant 0 : i32
        %dma_start3A_210 = arith.constant 0 : i32
        %dma_start3A_211 = tpu.memref_slice %arg2[%dma_start3A_209, %dma_start3A_210] : memref<10000x256xf32, #tpu.memory_space<hbm>> -> memref<10000x256xf32, #tpu.memory_space<hbm>>
        %dma_start3A_212 = tpu.memref_slice %arg10[%dma_start3A_204] : memref<8x!tpu.dma_semaphore, #tpu.memory_space<semaphore_mem>> -> memref<1x!tpu.dma_semaphore, #tpu.memory_space<semaphore_mem>>
        %dma_start3A_213 = tpu.memref_squeeze %dma_start3A_212 : memref<1x!tpu.dma_semaphore, #tpu.memory_space<semaphore_mem>> -> memref<!tpu.dma_semaphore, #tpu.memory_space<semaphore_mem>>
        tpu.enqueue_indirect_dma source(%dma_start3A_211 : memref<10000x256xf32, #tpu.memory_space<hbm>>) target(%dma_start3A_208 : memref<16x256xf32, #tpu.memory_space<vmem>>) offsets(%get3A_202 : vector<16xi32>) semaphore(%dma_start3A_213 : memref<!tpu.dma_semaphore, #tpu.memory_space<semaphore_mem>>)
      } else {
      }
      %gt3A_155 = arith.constant 4 : i32
      %gt3A_156 = arith.cmpi sgt, %select_n3A_91, %gt3A_155 : i32
      %convert_element_type3A_157 = arith.extui %gt3A_156 : i1 to i32
      %cond3A_158 = arith.constant 0 : i32
      %cond3A_159 = arith.cmpi ne, %convert_element_type3A_157, %cond3A_158 : i32
      scf.if %cond3A_159 {
        %get3A_187 = arith.constant 128 : index
        %get3A_188 = tpu.vector_load %arg7[%get3A_187] {strides = array<i32>} : memref<2048xi32, #tpu.memory_space<vmem>>, vector<16xi32>,
        %get3A_189 = vector.shape_cast %get3A_188 : vector<16xi32> to vector<16xi32>
        %dma_start3A = arith.constant 4 : i32
        %dma_start3A_190 = arith.constant 4 : i32
        %dma_start3A_191 = arith.constant 0 : i32
        %dma_start3A_192 = arith.constant 0 : i32
        %dma_start3A_193 = tpu.memref_slice %arg8[%dma_start3A, %dma_start3A_191, %dma_start3A_192] : memref<8x32x256xf32, #tpu.memory_space<vmem>> -> memref<1x16x256xf32, #tpu.memory_space<vmem>>
        %dma_start3A_194 = tpu.memref_squeeze %dma_start3A_193 : memref<1x16x256xf32, #tpu.memory_space<vmem>> -> memref<16x256xf32, #tpu.memory_space<vmem>>
        %dma_start3A_195 = arith.constant 0 : i32
        %dma_start3A_196 = arith.constant 0 : i32
        %dma_start3A_197 = tpu.memref_slice %arg2[%dma_start3A_195, %dma_start3A_196] : memref<10000x256xf32, #tpu.memory_space<hbm>> -> memref<10000x256xf32, #tpu.memory_space<hbm>>
        %dma_start3A_198 = tpu.memref_slice %arg10[%dma_start3A_190] : memref<8x!tpu.dma_semaphore, #tpu.memory_space<semaphore_mem>> -> memref<1x!tpu.dma_semaphore, #tpu.memory_space<semaphore_mem>>
        %dma_start3A_199 = tpu.memref_squeeze %dma_start3A_198 : memref<1x!tpu.dma_semaphore, #tpu.memory_space<semaphore_mem>> -> memref<!tpu.dma_semaphore, #tpu.memory_space<semaphore_mem>>
        tpu.enqueue_indirect_dma source(%dma_start3A_197 : memref<10000x256xf32, #tpu.memory_space<hbm>>) target(%dma_start3A_194 : memref<16x256xf32, #tpu.memory_space<vmem>>) offsets(%get3A_189 : vector<16xi32>) semaphore(%dma_start3A_199 : memref<!tpu.dma_semaphore, #tpu.memory_space<semaphore_mem>>)
        %get3A_200 = arith.constant 144 : index
        %get3A_201 = tpu.vector_load %arg7[%get3A_200] {strides = array<i32>} : memref<2048xi32, #tpu.memory_space<vmem>>, vector<16xi32>,
        %get3A_202 = vector.shape_cast %get3A_201 : vector<16xi32> to vector<16xi32>
        %dma_start3A_203 = arith.constant 4 : i32
        %dma_start3A_204 = arith.constant 4 : i32
        %dma_start3A_205 = arith.constant 16 : i32
        %dma_start3A_206 = arith.constant 0 : i32
        %dma_start3A_207 = tpu.memref_slice %arg8[%dma_start3A_203, %dma_start3A_205, %dma_start3A_206] : memref<8x32x256xf32, #tpu.memory_space<vmem>> -> memref<1x16x256xf32, #tpu.memory_space<vmem>>
        %dma_start3A_208 = tpu.memref_squeeze %dma_start3A_207 : memref<1x16x256xf32, #tpu.memory_space<vmem>> -> memref<16x256xf32, #tpu.memory_space<vmem>>
        %dma_start3A_209 = arith.constant 0 : i32
        %dma_start3A_210 = arith.constant 0 : i32
        %dma_start3A_211 = tpu.memref_slice %arg2[%dma_start3A_209, %dma_start3A_210] : memref<10000x256xf32, #tpu.memory_space<hbm>> -> memref<10000x256xf32, #tpu.memory_space<hbm>>
        %dma_start3A_212 = tpu.memref_slice %arg10[%dma_start3A_204] : memref<8x!tpu.dma_semaphore, #tpu.memory_space<semaphore_mem>> -> memref<1x!tpu.dma_semaphore, #tpu.memory_space<semaphore_mem>>
        %dma_start3A_213 = tpu.memref_squeeze %dma_start3A_212 : memref<1x!tpu.dma_semaphore, #tpu.memory_space<semaphore_mem>> -> memref<!tpu.dma_semaphore, #tpu.memory_space<semaphore_mem>>
        tpu.enqueue_indirect_dma source(%dma_start3A_211 : memref<10000x256xf32, #tpu.memory_space<hbm>>) target(%dma_start3A_208 : memref<16x256xf32, #tpu.memory_space<vmem>>) offsets(%get3A_202 : vector<16xi32>) semaphore(%dma_start3A_213 : memref<!tpu.dma_semaphore, #tpu.memory_space<semaphore_mem>>)
      } else {
      }
      %gt3A_160 = arith.constant 5 : i32
      %gt3A_161 = arith.cmpi sgt, %select_n3A_91, %gt3A_160 : i32
      %convert_element_type3A_162 = arith.extui %gt3A_161 : i1 to i32
      %cond3A_163 = arith.constant 0 : i32
      %cond3A_164 = arith.cmpi ne, %convert_element_type3A_162, %cond3A_163 : i32
      scf.if %cond3A_164 {
        %get3A_187 = arith.constant 160 : index
        %get3A_188 = tpu.vector_load %arg7[%get3A_187] {strides = array<i32>} : memref<2048xi32, #tpu.memory_space<vmem>>, vector<16xi32>,
        %get3A_189 = vector.shape_cast %get3A_188 : vector<16xi32> to vector<16xi32>
        %dma_start3A = arith.constant 5 : i32
        %dma_start3A_190 = arith.constant 5 : i32
        %dma_start3A_191 = arith.constant 0 : i32
        %dma_start3A_192 = arith.constant 0 : i32
        %dma_start3A_193 = tpu.memref_slice %arg8[%dma_start3A, %dma_start3A_191, %dma_start3A_192] : memref<8x32x256xf32, #tpu.memory_space<vmem>> -> memref<1x16x256xf32, #tpu.memory_space<vmem>>
        %dma_start3A_194 = tpu.memref_squeeze %dma_start3A_193 : memref<1x16x256xf32, #tpu.memory_space<vmem>> -> memref<16x256xf32, #tpu.memory_space<vmem>>
        %dma_start3A_195 = arith.constant 0 : i32
        %dma_start3A_196 = arith.constant 0 : i32
        %dma_start3A_197 = tpu.memref_slice %arg2[%dma_start3A_195, %dma_start3A_196] : memref<10000x256xf32, #tpu.memory_space<hbm>> -> memref<10000x256xf32, #tpu.memory_space<hbm>>
        %dma_start3A_198 = tpu.memref_slice %arg10[%dma_start3A_190] : memref<8x!tpu.dma_semaphore, #tpu.memory_space<semaphore_mem>> -> memref<1x!tpu.dma_semaphore, #tpu.memory_space<semaphore_mem>>
        %dma_start3A_199 = tpu.memref_squeeze %dma_start3A_198 : memref<1x!tpu.dma_semaphore, #tpu.memory_space<semaphore_mem>> -> memref<!tpu.dma_semaphore, #tpu.memory_space<semaphore_mem>>
        tpu.enqueue_indirect_dma source(%dma_start3A_197 : memref<10000x256xf32, #tpu.memory_space<hbm>>) target(%dma_start3A_194 : memref<16x256xf32, #tpu.memory_space<vmem>>) offsets(%get3A_189 : vector<16xi32>) semaphore(%dma_start3A_199 : memref<!tpu.dma_semaphore, #tpu.memory_space<semaphore_mem>>)
        %get3A_200 = arith.constant 176 : index
        %get3A_201 = tpu.vector_load %arg7[%get3A_200] {strides = array<i32>} : memref<2048xi32, #tpu.memory_space<vmem>>, vector<16xi32>,
        %get3A_202 = vector.shape_cast %get3A_201 : vector<16xi32> to vector<16xi32>
        %dma_start3A_203 = arith.constant 5 : i32
        %dma_start3A_204 = arith.constant 5 : i32
        %dma_start3A_205 = arith.constant 16 : i32
        %dma_start3A_206 = arith.constant 0 : i32
        %dma_start3A_207 = tpu.memref_slice %arg8[%dma_start3A_203, %dma_start3A_205, %dma_start3A_206] : memref<8x32x256xf32, #tpu.memory_space<vmem>> -> memref<1x16x256xf32, #tpu.memory_space<vmem>>
        %dma_start3A_208 = tpu.memref_squeeze %dma_start3A_207 : memref<1x16x256xf32, #tpu.memory_space<vmem>> -> memref<16x256xf32, #tpu.memory_space<vmem>>
        %dma_start3A_209 = arith.constant 0 : i32
        %dma_start3A_210 = arith.constant 0 : i32
        %dma_start3A_211 = tpu.memref_slice %arg2[%dma_start3A_209, %dma_start3A_210] : memref<10000x256xf32, #tpu.memory_space<hbm>> -> memref<10000x256xf32, #tpu.memory_space<hbm>>
        %dma_start3A_212 = tpu.memref_slice %arg10[%dma_start3A_204] : memref<8x!tpu.dma_semaphore, #tpu.memory_space<semaphore_mem>> -> memref<1x!tpu.dma_semaphore, #tpu.memory_space<semaphore_mem>>
        %dma_start3A_213 = tpu.memref_squeeze %dma_start3A_212 : memref<1x!tpu.dma_semaphore, #tpu.memory_space<semaphore_mem>> -> memref<!tpu.dma_semaphore, #tpu.memory_space<semaphore_mem>>
        tpu.enqueue_indirect_dma source(%dma_start3A_211 : memref<10000x256xf32, #tpu.memory_space<hbm>>) target(%dma_start3A_208 : memref<16x256xf32, #tpu.memory_space<vmem>>) offsets(%get3A_202 : vector<16xi32>) semaphore(%dma_start3A_213 : memref<!tpu.dma_semaphore, #tpu.memory_space<semaphore_mem>>)
      } else {
      }
      %gt3A_165 = arith.constant 6 : i32
      %gt3A_166 = arith.cmpi sgt, %select_n3A_91, %gt3A_165 : i32
      %convert_element_type3A_167 = arith.extui %gt3A_166 : i1 to i32
      %cond3A_168 = arith.constant 0 : i32
      %cond3A_169 = arith.cmpi ne, %convert_element_type3A_167, %cond3A_168 : i32
      scf.if %cond3A_169 {
        %get3A_187 = arith.constant 192 : index
        %get3A_188 = tpu.vector_load %arg7[%get3A_187] {strides = array<i32>} : memref<2048xi32, #tpu.memory_space<vmem>>, vector<16xi32>,
        %get3A_189 = vector.shape_cast %get3A_188 : vector<16xi32> to vector<16xi32>
        %dma_start3A = arith.constant 6 : i32
        %dma_start3A_190 = arith.constant 6 : i32
        %dma_start3A_191 = arith.constant 0 : i32
        %dma_start3A_192 = arith.constant 0 : i32
        %dma_start3A_193 = tpu.memref_slice %arg8[%dma_start3A, %dma_start3A_191, %dma_start3A_192] : memref<8x32x256xf32, #tpu.memory_space<vmem>> -> memref<1x16x256xf32, #tpu.memory_space<vmem>>
        %dma_start3A_194 = tpu.memref_squeeze %dma_start3A_193 : memref<1x16x256xf32, #tpu.memory_space<vmem>> -> memref<16x256xf32, #tpu.memory_space<vmem>>
        %dma_start3A_195 = arith.constant 0 : i32
        %dma_start3A_196 = arith.constant 0 : i32
        %dma_start3A_197 = tpu.memref_slice %arg2[%dma_start3A_195, %dma_start3A_196] : memref<10000x256xf32, #tpu.memory_space<hbm>> -> memref<10000x256xf32, #tpu.memory_space<hbm>>
        %dma_start3A_198 = tpu.memref_slice %arg10[%dma_start3A_190] : memref<8x!tpu.dma_semaphore, #tpu.memory_space<semaphore_mem>> -> memref<1x!tpu.dma_semaphore, #tpu.memory_space<semaphore_mem>>
        %dma_start3A_199 = tpu.memref_squeeze %dma_start3A_198 : memref<1x!tpu.dma_semaphore, #tpu.memory_space<semaphore_mem>> -> memref<!tpu.dma_semaphore, #tpu.memory_space<semaphore_mem>>
        tpu.enqueue_indirect_dma source(%dma_start3A_197 : memref<10000x256xf32, #tpu.memory_space<hbm>>) target(%dma_start3A_194 : memref<16x256xf32, #tpu.memory_space<vmem>>) offsets(%get3A_189 : vector<16xi32>) semaphore(%dma_start3A_199 : memref<!tpu.dma_semaphore, #tpu.memory_space<semaphore_mem>>)
        %get3A_200 = arith.constant 208 : index
        %get3A_201 = tpu.vector_load %arg7[%get3A_200] {strides = array<i32>} : memref<2048xi32, #tpu.memory_space<vmem>>, vector<16xi32>,
        %get3A_202 = vector.shape_cast %get3A_201 : vector<16xi32> to vector<16xi32>
        %dma_start3A_203 = arith.constant 6 : i32
        %dma_start3A_204 = arith.constant 6 : i32
        %dma_start3A_205 = arith.constant 16 : i32
        %dma_start3A_206 = arith.constant 0 : i32
        %dma_start3A_207 = tpu.memref_slice %arg8[%dma_start3A_203, %dma_start3A_205, %dma_start3A_206] : memref<8x32x256xf32, #tpu.memory_space<vmem>> -> memref<1x16x256xf32, #tpu.memory_space<vmem>>
        %dma_start3A_208 = tpu.memref_squeeze %dma_start3A_207 : memref<1x16x256xf32, #tpu.memory_space<vmem>> -> memref<16x256xf32, #tpu.memory_space<vmem>>
        %dma_start3A_209 = arith.constant 0 : i32
        %dma_start3A_210 = arith.constant 0 : i32
        %dma_start3A_211 = tpu.memref_slice %arg2[%dma_start3A_209, %dma_start3A_210] : memref<10000x256xf32, #tpu.memory_space<hbm>> -> memref<10000x256xf32, #tpu.memory_space<hbm>>
        %dma_start3A_212 = tpu.memref_slice %arg10[%dma_start3A_204] : memref<8x!tpu.dma_semaphore, #tpu.memory_space<semaphore_mem>> -> memref<1x!tpu.dma_semaphore, #tpu.memory_space<semaphore_mem>>
        %dma_start3A_213 = tpu.memref_squeeze %dma_start3A_212 : memref<1x!tpu.dma_semaphore, #tpu.memory_space<semaphore_mem>> -> memref<!tpu.dma_semaphore, #tpu.memory_space<semaphore_mem>>
        tpu.enqueue_indirect_dma source(%dma_start3A_211 : memref<10000x256xf32, #tpu.memory_space<hbm>>) target(%dma_start3A_208 : memref<16x256xf32, #tpu.memory_space<vmem>>) offsets(%get3A_202 : vector<16xi32>) semaphore(%dma_start3A_213 : memref<!tpu.dma_semaphore, #tpu.memory_space<semaphore_mem>>)
      } else {
      }
      %dma_wait3A = arith.constant 0 : i32
      %dma_wait3A_170 = arith.constant 0 : i32
      %dma_wait3A_171 = arith.constant 0 : i32
      %dma_wait3A_172 = arith.constant 0 : i32
      %dma_wait3A_173 = tpu.memref_slice %arg8[%dma_wait3A, %dma_wait3A_171, %dma_wait3A_172] : memref<8x32x256xf32, #tpu.memory_space<vmem>> -> memref<1x32x256xf32, #tpu.memory_space<vmem>>
      %dma_wait3A_174 = tpu.memref_squeeze %dma_wait3A_173 : memref<1x32x256xf32, #tpu.memory_space<vmem>> -> memref<32x256xf32, #tpu.memory_space<vmem>>
      %dma_wait3A_175 = arith.constant 0 : i32
      %dma_wait3A_176 = arith.constant 0 : i32
      %dma_wait3A_177 = tpu.memref_slice %arg2[%dma_wait3A_175, %dma_wait3A_176] : memref<10000x256xf32, #tpu.memory_space<hbm>> -> memref<32x256xf32, #tpu.memory_space<hbm>>
      %dma_wait3A_178 = tpu.memref_slice %arg10[%dma_wait3A_170] : memref<8x!tpu.dma_semaphore, #tpu.memory_space<semaphore_mem>> -> memref<1x!tpu.dma_semaphore, #tpu.memory_space<semaphore_mem>>
      %dma_wait3A_179 = tpu.memref_squeeze %dma_wait3A_178 : memref<1x!tpu.dma_semaphore, #tpu.memory_space<semaphore_mem>> -> memref<!tpu.dma_semaphore, #tpu.memory_space<semaphore_mem>>
      %dma_wait3A_180 = arith.constant 0 : i32
      %dma_wait3A_181 = arith.constant 0 : i32
      %dma_wait3A_182 = tpu.memref_slice %arg8[%dma_wait3A, %dma_wait3A_180, %dma_wait3A_181] : memref<8x32x256xf32, #tpu.memory_space<vmem>> -> memref<1x32x256xf32, #tpu.memory_space<vmem>>
      %dma_wait3A_183 = tpu.memref_squeeze %dma_wait3A_182 : memref<1x32x256xf32, #tpu.memory_space<vmem>> -> memref<32x256xf32, #tpu.memory_space<vmem>>
      %dma_wait3A_184 = arith.constant 0 : i32
      %dma_wait3A_185 = arith.constant 0 : i32
      %dma_wait3A_186 = tpu.memref_slice %arg2[%dma_wait3A_184, %dma_wait3A_185] : memref<10000x256xf32, #tpu.memory_space<hbm>> -> memref<32x256xf32, #tpu.memory_space<hbm>>
      tpu.wait_dma2 semaphore(%dma_wait3A_179 : memref<!tpu.dma_semaphore, #tpu.memory_space<semaphore_mem>>) src(%dma_wait3A_186 : memref<32x256xf32, #tpu.memory_space<hbm>>) dst(%dma_wait3A_183 : memref<32x256xf32, #tpu.memory_space<vmem>>)
    } else {
    }
    %add3A_96 = arith.constant 1 : i32
    %add3A_97 = arith.addi %sub3A_25, %add3A_96 : i32
    %get3A_98 = arith.index_cast %add3A_97 : i32 to index
    %get3A_99 = tpu.vector_load %arg6[%get3A_98] {strides = array<i32>} : memref<344xi32, #tpu.memory_space<vmem>>, vector<16xi32>,
    %get3A_100 = vector.shape_cast %get3A_99 : vector<16xi32> to vector<16xi32>
    %slice3A_101 = vector.extract_strided_slice %get3A_100 {offsets = [0], sizes = [1], strides = [1]} : vector<16xi32> to vector<1xi32>
    %squeeze3A_102 = vector.extract %slice3A_101[0] : i32 from vector<1xi32>
    %while3A = arith.constant 0 : i32
    %while3A_103 = arith.constant 0 : i32
    %while3A_104 = arith.constant 0 : i32
    %while3A_105 = arith.subi %add3A_92, %while3A : i32
    %while3A_106 = arith.addi %while3A, %while3A_105 : i32
    %while3A_107 = arith.constant 1 : i32
    %while3A_108 = arith.divsi %while3A_105, %while3A_107 : i32
    %while3A_109 = arith.muli %while3A_108, %while3A_107 : i32
    %while3A_110 = arith.addi %while3A, %while3A_109 : i32
    %while3A_111 = arith.constant 1 : i32
    %while3A_112:22 = scf.for %while3A_135 = %while3A to %while3A_110 step %while3A_111 iter_args(%while3A_136 = %while3A_103, %while3A_137 = %squeeze3A, %while3A_138 = %while3A_104, %while3A_139 = %squeeze3A, %while3A_140 = %squeeze3A_102, %while3A_141 = %multiple_of3A_62, %while3A_142 = %broadcast_in_dim3A_93, %while3A_143 = %broadcast_in_dim3A_93, %while3A_144 = %broadcast_in_dim3A_93, %while3A_145 = %broadcast_in_dim3A_93, %while3A_146 = %broadcast_in_dim3A_93, %while3A_147 = %broadcast_in_dim3A_93, %while3A_148 = %broadcast_in_dim3A_93, %while3A_149 = %broadcast_in_dim3A_93, %while3A_150 = %broadcast_in_dim3A_93, %while3A_151 = %broadcast_in_dim3A_93, %while3A_152 = %broadcast_in_dim3A_93, %while3A_153 = %broadcast_in_dim3A_93, %while3A_154 = %broadcast_in_dim3A_93, %while3A_155 = %broadcast_in_dim3A_93, %while3A_156 = %broadcast_in_dim3A_93, %while3A_157 = %broadcast_in_dim3A_93) -> (i32, i32, i32, i32, i32, i32, vector<16xf32>, vector<16xf32>, vector<16xf32>, vector<16xf32>, vector<16xf32>, vector<16xf32>, vector<16xf32>, vector<16xf32>, vector<16xf32>, vector<16xf32>, vector<16xf32>, vector<16xf32>, vector<16xf32>, vector<16xf32>, vector<16xf32>, vector<16xf32>)  : i32 {
      %rem3A_158 = arith.constant 8 : i32
      %rem3A_159 = arith.remsi %while3A_136, %rem3A_158 : i32
      %mul3A_160 = arith.constant 32 : i32
      %mul3A_161 = arith.muli %while3A_136, %mul3A_160 : i32
      %add3A_162 = arith.addi %multiple_of3A_62, %mul3A_161 : i32
      %add3A_163 = arith.constant 32 : i32
      %add3A_164 = arith.addi %add3A_162, %add3A_163 : i32
      %min3A_165 = arith.minsi %add3A_164, %squeeze3A_35 : i32
      %min3A_166 = arith.minsi %while3A_140, %min3A_165 : i32
      %sub3A_167 = arith.subi %min3A_166, %while3A_137 : i32
      %max3A = arith.constant 0 : i32
      %max3A_168 = arith.maxsi %sub3A_167, %max3A : i32
      %sub3A_169 = arith.subi %while3A_137, %add3A_162 : i32
      %add3A_170 = arith.addi %sub3A_169, %max3A_168 : i32
      %while3A_171 = arith.subi %add3A_170, %sub3A_169 : i32
      %while3A_172 = arith.addi %sub3A_169, %while3A_171 : i32
      %while3A_173 = arith.constant 1 : i32
      %while3A_174 = arith.divsi %while3A_171, %while3A_173 : i32
      %while3A_175 = arith.muli %while3A_174, %while3A_173 : i32
      %while3A_176 = arith.addi %sub3A_169, %while3A_175 : i32
      %while3A_177 = arith.constant 1 : i32
      %while3A_178:16 = scf.for %while3A_249 = %sub3A_169 to %while3A_176 step %while3A_177 iter_args(%while3A_250 = %while3A_142, %while3A_251 = %while3A_143, %while3A_252 = %while3A_144, %while3A_253 = %while3A_145, %while3A_254 = %while3A_146, %while3A_255 = %while3A_147, %while3A_256 = %while3A_148, %while3A_257 = %while3A_149, %while3A_258 = %while3A_150, %while3A_259 = %while3A_151, %while3A_260 = %while3A_152, %while3A_261 = %while3A_153, %while3A_262 = %while3A_154, %while3A_263 = %while3A_155, %while3A_264 = %while3A_156, %while3A_265 = %while3A_157) -> (vector<16xf32>, vector<16xf32>, vector<16xf32>, vector<16xf32>, vector<16xf32>, vector<16xf32>, vector<16xf32>, vector<16xf32>, vector<16xf32>, vector<16xf32>, vector<16xf32>, vector<16xf32>, vector<16xf32>, vector<16xf32>, vector<16xf32>, vector<16xf32>)  : i32 {
        %get3A_266 = arith.index_cast %rem3A_159 : i32 to index
        %get3A_267 = arith.index_cast %while3A_249 : i32 to index
        %get3A_268 = arith.constant 0 : index
        %get3A_269 = tpu.vector_load %arg8[%get3A_266, %get3A_267, %get3A_268] {strides = array<i32>} : memref<8x32x256xf32, #tpu.memory_space<vmem>>, vector<1x1x16xf32>,
        %get3A_270 = vector.shape_cast %get3A_269 : vector<1x1x16xf32> to vector<16xf32>
        %add3A_271 = arith.addf %while3A_250, %get3A_270 : vector<16xf32>
        %get3A_272 = arith.index_cast %rem3A_159 : i32 to index
        %get3A_273 = arith.index_cast %while3A_249 : i32 to index
        %get3A_274 = arith.constant 16 : index
        %get3A_275 = tpu.vector_load %arg8[%get3A_272, %get3A_273, %get3A_274] {strides = array<i32>} : memref<8x32x256xf32, #tpu.memory_space<vmem>>, vector<1x1x16xf32>,
        %get3A_276 = vector.shape_cast %get3A_275 : vector<1x1x16xf32> to vector<16xf32>
        %add3A_277 = arith.addf %while3A_251, %get3A_276 : vector<16xf32>
        %get3A_278 = arith.index_cast %rem3A_159 : i32 to index
        %get3A_279 = arith.index_cast %while3A_249 : i32 to index
        %get3A_280 = arith.constant 32 : index
        %get3A_281 = tpu.vector_load %arg8[%get3A_278, %get3A_279, %get3A_280] {strides = array<i32>} : memref<8x32x256xf32, #tpu.memory_space<vmem>>, vector<1x1x16xf32>,
        %get3A_282 = vector.shape_cast %get3A_281 : vector<1x1x16xf32> to vector<16xf32>
        %add3A_283 = arith.addf %while3A_252, %get3A_282 : vector<16xf32>
        %get3A_284 = arith.index_cast %rem3A_159 : i32 to index
        %get3A_285 = arith.index_cast %while3A_249 : i32 to index
        %get3A_286 = arith.constant 48 : index
        %get3A_287 = tpu.vector_load %arg8[%get3A_284, %get3A_285, %get3A_286] {strides = array<i32>} : memref<8x32x256xf32, #tpu.memory_space<vmem>>, vector<1x1x16xf32>,
        %get3A_288 = vector.shape_cast %get3A_287 : vector<1x1x16xf32> to vector<16xf32>
        %add3A_289 = arith.addf %while3A_253, %get3A_288 : vector<16xf32>
        %get3A_290 = arith.index_cast %rem3A_159 : i32 to index
        %get3A_291 = arith.index_cast %while3A_249 : i32 to index
        %get3A_292 = arith.constant 64 : index
        %get3A_293 = tpu.vector_load %arg8[%get3A_290, %get3A_291, %get3A_292] {strides = array<i32>} : memref<8x32x256xf32, #tpu.memory_space<vmem>>, vector<1x1x16xf32>,
        %get3A_294 = vector.shape_cast %get3A_293 : vector<1x1x16xf32> to vector<16xf32>
        %add3A_295 = arith.addf %while3A_254, %get3A_294 : vector<16xf32>
        %get3A_296 = arith.index_cast %rem3A_159 : i32 to index
        %get3A_297 = arith.index_cast %while3A_249 : i32 to index
        %get3A_298 = arith.constant 80 : index
        %get3A_299 = tpu.vector_load %arg8[%get3A_296, %get3A_297, %get3A_298] {strides = array<i32>} : memref<8x32x256xf32, #tpu.memory_space<vmem>>, vector<1x1x16xf32>,
        %get3A_300 = vector.shape_cast %get3A_299 : vector<1x1x16xf32> to vector<16xf32>
        %add3A_301 = arith.addf %while3A_255, %get3A_300 : vector<16xf32>
        %get3A_302 = arith.index_cast %rem3A_159 : i32 to index
        %get3A_303 = arith.index_cast %while3A_249 : i32 to index
        %get3A_304 = arith.constant 96 : index
        %get3A_305 = tpu.vector_load %arg8[%get3A_302, %get3A_303, %get3A_304] {strides = array<i32>} : memref<8x32x256xf32, #tpu.memory_space<vmem>>, vector<1x1x16xf32>,
        %get3A_306 = vector.shape_cast %get3A_305 : vector<1x1x16xf32> to vector<16xf32>
        %add3A_307 = arith.addf %while3A_256, %get3A_306 : vector<16xf32>
        %get3A_308 = arith.index_cast %rem3A_159 : i32 to index
        %get3A_309 = arith.index_cast %while3A_249 : i32 to index
        %get3A_310 = arith.constant 112 : index
        %get3A_311 = tpu.vector_load %arg8[%get3A_308, %get3A_309, %get3A_310] {strides = array<i32>} : memref<8x32x256xf32, #tpu.memory_space<vmem>>, vector<1x1x16xf32>,
        %get3A_312 = vector.shape_cast %get3A_311 : vector<1x1x16xf32> to vector<16xf32>
        %add3A_313 = arith.addf %while3A_257, %get3A_312 : vector<16xf32>
        %get3A_314 = arith.index_cast %rem3A_159 : i32 to index
        %get3A_315 = arith.index_cast %while3A_249 : i32 to index
        %get3A_316 = arith.constant 128 : index
        %get3A_317 = tpu.vector_load %arg8[%get3A_314, %get3A_315, %get3A_316] {strides = array<i32>} : memref<8x32x256xf32, #tpu.memory_space<vmem>>, vector<1x1x16xf32>,
        %get3A_318 = vector.shape_cast %get3A_317 : vector<1x1x16xf32> to vector<16xf32>
        %add3A_319 = arith.addf %while3A_258, %get3A_318 : vector<16xf32>
        %get3A_320 = arith.index_cast %rem3A_159 : i32 to index
        %get3A_321 = arith.index_cast %while3A_249 : i32 to index
        %get3A_322 = arith.constant 144 : index
        %get3A_323 = tpu.vector_load %arg8[%get3A_320, %get3A_321, %get3A_322] {strides = array<i32>} : memref<8x32x256xf32, #tpu.memory_space<vmem>>, vector<1x1x16xf32>,
        %get3A_324 = vector.shape_cast %get3A_323 : vector<1x1x16xf32> to vector<16xf32>
        %add3A_325 = arith.addf %while3A_259, %get3A_324 : vector<16xf32>
        %get3A_326 = arith.index_cast %rem3A_159 : i32 to index
        %get3A_327 = arith.index_cast %while3A_249 : i32 to index
        %get3A_328 = arith.constant 160 : index
        %get3A_329 = tpu.vector_load %arg8[%get3A_326, %get3A_327, %get3A_328] {strides = array<i32>} : memref<8x32x256xf32, #tpu.memory_space<vmem>>, vector<1x1x16xf32>,
        %get3A_330 = vector.shape_cast %get3A_329 : vector<1x1x16xf32> to vector<16xf32>
        %add3A_331 = arith.addf %while3A_260, %get3A_330 : vector<16xf32>
        %get3A_332 = arith.index_cast %rem3A_159 : i32 to index
        %get3A_333 = arith.index_cast %while3A_249 : i32 to index
        %get3A_334 = arith.constant 176 : index
        %get3A_335 = tpu.vector_load %arg8[%get3A_332, %get3A_333, %get3A_334] {strides = array<i32>} : memref<8x32x256xf32, #tpu.memory_space<vmem>>, vector<1x1x16xf32>,
        %get3A_336 = vector.shape_cast %get3A_335 : vector<1x1x16xf32> to vector<16xf32>
        %add3A_337 = arith.addf %while3A_261, %get3A_336 : vector<16xf32>
        %get3A_338 = arith.index_cast %rem3A_159 : i32 to index
        %get3A_339 = arith.index_cast %while3A_249 : i32 to index
        %get3A_340 = arith.constant 192 : index
        %get3A_341 = tpu.vector_load %arg8[%get3A_338, %get3A_339, %get3A_340] {strides = array<i32>} : memref<8x32x256xf32, #tpu.memory_space<vmem>>, vector<1x1x16xf32>,
        %get3A_342 = vector.shape_cast %get3A_341 : vector<1x1x16xf32> to vector<16xf32>
        %add3A_343 = arith.addf %while3A_262, %get3A_342 : vector<16xf32>
        %get3A_344 = arith.index_cast %rem3A_159 : i32 to index
        %get3A_345 = arith.index_cast %while3A_249 : i32 to index
        %get3A_346 = arith.constant 208 : index
        %get3A_347 = tpu.vector_load %arg8[%get3A_344, %get3A_345, %get3A_346] {strides = array<i32>} : memref<8x32x256xf32, #tpu.memory_space<vmem>>, vector<1x1x16xf32>,
        %get3A_348 = vector.shape_cast %get3A_347 : vector<1x1x16xf32> to vector<16xf32>
        %add3A_349 = arith.addf %while3A_263, %get3A_348 : vector<16xf32>
        %get3A_350 = arith.index_cast %rem3A_159 : i32 to index
        %get3A_351 = arith.index_cast %while3A_249 : i32 to index
        %get3A_352 = arith.constant 224 : index
        %get3A_353 = tpu.vector_load %arg8[%get3A_350, %get3A_351, %get3A_352] {strides = array<i32>} : memref<8x32x256xf32, #tpu.memory_space<vmem>>, vector<1x1x16xf32>,
        %get3A_354 = vector.shape_cast %get3A_353 : vector<1x1x16xf32> to vector<16xf32>
        %add3A_355 = arith.addf %while3A_264, %get3A_354 : vector<16xf32>
        %get3A_356 = arith.index_cast %rem3A_159 : i32 to index
        %get3A_357 = arith.index_cast %while3A_249 : i32 to index
        %get3A_358 = arith.constant 240 : index
        %get3A_359 = tpu.vector_load %arg8[%get3A_356, %get3A_357, %get3A_358] {strides = array<i32>} : memref<8x32x256xf32, #tpu.memory_space<vmem>>, vector<1x1x16xf32>,
        %get3A_360 = vector.shape_cast %get3A_359 : vector<1x1x16xf32> to vector<16xf32>
        %add3A_361 = arith.addf %while3A_265, %get3A_360 : vector<16xf32>
        scf.yield %add3A_271, %add3A_277, %add3A_283, %add3A_289, %add3A_295, %add3A_301, %add3A_307, %add3A_313, %add3A_319, %add3A_325, %add3A_331, %add3A_337, %add3A_343, %add3A_349, %add3A_355, %add3A_361 : vector<16xf32>, vector<16xf32>, vector<16xf32>, vector<16xf32>, vector<16xf32>, vector<16xf32>, vector<16xf32>, vector<16xf32>, vector<16xf32>, vector<16xf32>, vector<16xf32>, vector<16xf32>, vector<16xf32>, vector<16xf32>, vector<16xf32>, vector<16xf32>
      }
      %while3A_179 = arith.constant 1 : i32
      %while3A_180:16 = scf.for %while3A_249 = %while3A_176 to %while3A_172 step %while3A_179 iter_args(%while3A_250 = %while3A_178#0, %while3A_251 = %while3A_178#1, %while3A_252 = %while3A_178#2, %while3A_253 = %while3A_178#3, %while3A_254 = %while3A_178#4, %while3A_255 = %while3A_178#5, %while3A_256 = %while3A_178#6, %while3A_257 = %while3A_178#7, %while3A_258 = %while3A_178#8, %while3A_259 = %while3A_178#9, %while3A_260 = %while3A_178#10, %while3A_261 = %while3A_178#11, %while3A_262 = %while3A_178#12, %while3A_263 = %while3A_178#13, %while3A_264 = %while3A_178#14, %while3A_265 = %while3A_178#15) -> (vector<16xf32>, vector<16xf32>, vector<16xf32>, vector<16xf32>, vector<16xf32>, vector<16xf32>, vector<16xf32>, vector<16xf32>, vector<16xf32>, vector<16xf32>, vector<16xf32>, vector<16xf32>, vector<16xf32>, vector<16xf32>, vector<16xf32>, vector<16xf32>)  : i32 {
        %get3A_266 = arith.index_cast %rem3A_159 : i32 to index
        %get3A_267 = arith.index_cast %while3A_249 : i32 to index
        %get3A_268 = arith.constant 0 : index
        %get3A_269 = tpu.vector_load %arg8[%get3A_266, %get3A_267, %get3A_268] {strides = array<i32>} : memref<8x32x256xf32, #tpu.memory_space<vmem>>, vector<1x1x16xf32>,
        %get3A_270 = vector.shape_cast %get3A_269 : vector<1x1x16xf32> to vector<16xf32>
        %add3A_271 = arith.addf %while3A_250, %get3A_270 : vector<16xf32>
        %get3A_272 = arith.index_cast %rem3A_159 : i32 to index
        %get3A_273 = arith.index_cast %while3A_249 : i32 to index
        %get3A_274 = arith.constant 16 : index
        %get3A_275 = tpu.vector_load %arg8[%get3A_272, %get3A_273, %get3A_274] {strides = array<i32>} : memref<8x32x256xf32, #tpu.memory_space<vmem>>, vector<1x1x16xf32>,
        %get3A_276 = vector.shape_cast %get3A_275 : vector<1x1x16xf32> to vector<16xf32>
        %add3A_277 = arith.addf %while3A_251, %get3A_276 : vector<16xf32>
        %get3A_278 = arith.index_cast %rem3A_159 : i32 to index
        %get3A_279 = arith.index_cast %while3A_249 : i32 to index
        %get3A_280 = arith.constant 32 : index
        %get3A_281 = tpu.vector_load %arg8[%get3A_278, %get3A_279, %get3A_280] {strides = array<i32>} : memref<8x32x256xf32, #tpu.memory_space<vmem>>, vector<1x1x16xf32>,
        %get3A_282 = vector.shape_cast %get3A_281 : vector<1x1x16xf32> to vector<16xf32>
        %add3A_283 = arith.addf %while3A_252, %get3A_282 : vector<16xf32>
        %get3A_284 = arith.index_cast %rem3A_159 : i32 to index
        %get3A_285 = arith.index_cast %while3A_249 : i32 to index
        %get3A_286 = arith.constant 48 : index
        %get3A_287 = tpu.vector_load %arg8[%get3A_284, %get3A_285, %get3A_286] {strides = array<i32>} : memref<8x32x256xf32, #tpu.memory_space<vmem>>, vector<1x1x16xf32>,
        %get3A_288 = vector.shape_cast %get3A_287 : vector<1x1x16xf32> to vector<16xf32>
        %add3A_289 = arith.addf %while3A_253, %get3A_288 : vector<16xf32>
        %get3A_290 = arith.index_cast %rem3A_159 : i32 to index
        %get3A_291 = arith.index_cast %while3A_249 : i32 to index
        %get3A_292 = arith.constant 64 : index
        %get3A_293 = tpu.vector_load %arg8[%get3A_290, %get3A_291, %get3A_292] {strides = array<i32>} : memref<8x32x256xf32, #tpu.memory_space<vmem>>, vector<1x1x16xf32>,
        %get3A_294 = vector.shape_cast %get3A_293 : vector<1x1x16xf32> to vector<16xf32>
        %add3A_295 = arith.addf %while3A_254, %get3A_294 : vector<16xf32>
        %get3A_296 = arith.index_cast %rem3A_159 : i32 to index
        %get3A_297 = arith.index_cast %while3A_249 : i32 to index
        %get3A_298 = arith.constant 80 : index
        %get3A_299 = tpu.vector_load %arg8[%get3A_296, %get3A_297, %get3A_298] {strides = array<i32>} : memref<8x32x256xf32, #tpu.memory_space<vmem>>, vector<1x1x16xf32>,
        %get3A_300 = vector.shape_cast %get3A_299 : vector<1x1x16xf32> to vector<16xf32>
        %add3A_301 = arith.addf %while3A_255, %get3A_300 : vector<16xf32>
        %get3A_302 = arith.index_cast %rem3A_159 : i32 to index
        %get3A_303 = arith.index_cast %while3A_249 : i32 to index
        %get3A_304 = arith.constant 96 : index
        %get3A_305 = tpu.vector_load %arg8[%get3A_302, %get3A_303, %get3A_304] {strides = array<i32>} : memref<8x32x256xf32, #tpu.memory_space<vmem>>, vector<1x1x16xf32>,
        %get3A_306 = vector.shape_cast %get3A_305 : vector<1x1x16xf32> to vector<16xf32>
        %add3A_307 = arith.addf %while3A_256, %get3A_306 : vector<16xf32>
        %get3A_308 = arith.index_cast %rem3A_159 : i32 to index
        %get3A_309 = arith.index_cast %while3A_249 : i32 to index
        %get3A_310 = arith.constant 112 : index
        %get3A_311 = tpu.vector_load %arg8[%get3A_308, %get3A_309, %get3A_310] {strides = array<i32>} : memref<8x32x256xf32, #tpu.memory_space<vmem>>, vector<1x1x16xf32>,
        %get3A_312 = vector.shape_cast %get3A_311 : vector<1x1x16xf32> to vector<16xf32>
        %add3A_313 = arith.addf %while3A_257, %get3A_312 : vector<16xf32>
        %get3A_314 = arith.index_cast %rem3A_159 : i32 to index
        %get3A_315 = arith.index_cast %while3A_249 : i32 to index
        %get3A_316 = arith.constant 128 : index
        %get3A_317 = tpu.vector_load %arg8[%get3A_314, %get3A_315, %get3A_316] {strides = array<i32>} : memref<8x32x256xf32, #tpu.memory_space<vmem>>, vector<1x1x16xf32>,
        %get3A_318 = vector.shape_cast %get3A_317 : vector<1x1x16xf32> to vector<16xf32>
        %add3A_319 = arith.addf %while3A_258, %get3A_318 : vector<16xf32>
        %get3A_320 = arith.index_cast %rem3A_159 : i32 to index
        %get3A_321 = arith.index_cast %while3A_249 : i32 to index
        %get3A_322 = arith.constant 144 : index
        %get3A_323 = tpu.vector_load %arg8[%get3A_320, %get3A_321, %get3A_322] {strides = array<i32>} : memref<8x32x256xf32, #tpu.memory_space<vmem>>, vector<1x1x16xf32>,
        %get3A_324 = vector.shape_cast %get3A_323 : vector<1x1x16xf32> to vector<16xf32>
        %add3A_325 = arith.addf %while3A_259, %get3A_324 : vector<16xf32>
        %get3A_326 = arith.index_cast %rem3A_159 : i32 to index
        %get3A_327 = arith.index_cast %while3A_249 : i32 to index
        %get3A_328 = arith.constant 160 : index
        %get3A_329 = tpu.vector_load %arg8[%get3A_326, %get3A_327, %get3A_328] {strides = array<i32>} : memref<8x32x256xf32, #tpu.memory_space<vmem>>, vector<1x1x16xf32>,
        %get3A_330 = vector.shape_cast %get3A_329 : vector<1x1x16xf32> to vector<16xf32>
        %add3A_331 = arith.addf %while3A_260, %get3A_330 : vector<16xf32>
        %get3A_332 = arith.index_cast %rem3A_159 : i32 to index
        %get3A_333 = arith.index_cast %while3A_249 : i32 to index
        %get3A_334 = arith.constant 176 : index
        %get3A_335 = tpu.vector_load %arg8[%get3A_332, %get3A_333, %get3A_334] {strides = array<i32>} : memref<8x32x256xf32, #tpu.memory_space<vmem>>, vector<1x1x16xf32>,
        %get3A_336 = vector.shape_cast %get3A_335 : vector<1x1x16xf32> to vector<16xf32>
        %add3A_337 = arith.addf %while3A_261, %get3A_336 : vector<16xf32>
        %get3A_338 = arith.index_cast %rem3A_159 : i32 to index
        %get3A_339 = arith.index_cast %while3A_249 : i32 to index
        %get3A_340 = arith.constant 192 : index
        %get3A_341 = tpu.vector_load %arg8[%get3A_338, %get3A_339, %get3A_340] {strides = array<i32>} : memref<8x32x256xf32, #tpu.memory_space<vmem>>, vector<1x1x16xf32>,
        %get3A_342 = vector.shape_cast %get3A_341 : vector<1x1x16xf32> to vector<16xf32>
        %add3A_343 = arith.addf %while3A_262, %get3A_342 : vector<16xf32>
        %get3A_344 = arith.index_cast %rem3A_159 : i32 to index
        %get3A_345 = arith.index_cast %while3A_249 : i32 to index
        %get3A_346 = arith.constant 208 : index
        %get3A_347 = tpu.vector_load %arg8[%get3A_344, %get3A_345, %get3A_346] {strides = array<i32>} : memref<8x32x256xf32, #tpu.memory_space<vmem>>, vector<1x1x16xf32>,
        %get3A_348 = vector.shape_cast %get3A_347 : vector<1x1x16xf32> to vector<16xf32>
        %add3A_349 = arith.addf %while3A_263, %get3A_348 : vector<16xf32>
        %get3A_350 = arith.index_cast %rem3A_159 : i32 to index
        %get3A_351 = arith.index_cast %while3A_249 : i32 to index
        %get3A_352 = arith.constant 224 : index
        %get3A_353 = tpu.vector_load %arg8[%get3A_350, %get3A_351, %get3A_352] {strides = array<i32>} : memref<8x32x256xf32, #tpu.memory_space<vmem>>, vector<1x1x16xf32>,
        %get3A_354 = vector.shape_cast %get3A_353 : vector<1x1x16xf32> to vector<16xf32>
        %add3A_355 = arith.addf %while3A_264, %get3A_354 : vector<16xf32>
        %get3A_356 = arith.index_cast %rem3A_159 : i32 to index
        %get3A_357 = arith.index_cast %while3A_249 : i32 to index
        %get3A_358 = arith.constant 240 : index
        %get3A_359 = tpu.vector_load %arg8[%get3A_356, %get3A_357, %get3A_358] {strides = array<i32>} : memref<8x32x256xf32, #tpu.memory_space<vmem>>, vector<1x1x16xf32>,
        %get3A_360 = vector.shape_cast %get3A_359 : vector<1x1x16xf32> to vector<16xf32>
        %add3A_361 = arith.addf %while3A_265, %get3A_360 : vector<16xf32>
        scf.yield %add3A_271, %add3A_277, %add3A_283, %add3A_289, %add3A_295, %add3A_301, %add3A_307, %add3A_313, %add3A_319, %add3A_325, %add3A_331, %add3A_337, %add3A_343, %add3A_349, %add3A_355, %add3A_361 : vector<16xf32>, vector<16xf32>, vector<16xf32>, vector<16xf32>, vector<16xf32>, vector<16xf32>, vector<16xf32>, vector<16xf32>, vector<16xf32>, vector<16xf32>, vector<16xf32>, vector<16xf32>, vector<16xf32>, vector<16xf32>, vector<16xf32>, vector<16xf32>
      }
      %add3A_181 = arith.addi %while3A_137, %max3A_168 : i32
      %ge3A = arith.cmpi sge, %add3A_181, %while3A_140 : i32
      %lt3A = arith.cmpi slt, %while3A_138, %min3A_4 : i32
      %and3A_182 = arith.andi %ge3A, %lt3A : i1
      %not3A = arith.constant true
      %not3A_183 = arith.xori %and3A_182, %not3A : i1
      %ge3A_184 = arith.cmpi sge, %add3A_181, %min3A_165 : i32
      %add3A_185 = arith.constant 1 : i32
      %add3A_186 = arith.addi %while3A_136, %add3A_185 : i32
      %lt3A_187 = arith.cmpi slt, %add3A_186, %select_n3A_91 : i32
      %and3A_188 = arith.andi %ge3A_184, %lt3A_187 : i1
      %and3A_189 = arith.andi %not3A_183, %and3A_188 : i1
      %convert_element_type3A_190 = arith.extui %and3A_182 : i1 to i32
      %cond3A_191 = arith.constant 0 : i32
      %cond3A_192 = arith.cmpi ne, %convert_element_type3A_190, %cond3A_191 : i32
      scf.if %cond3A_192 {
        %rem3A_249 = arith.constant 4 : i32
        %rem3A_250 = arith.remsi %while3A_138, %rem3A_249 : i32
        %mul3A_251 = arith.constant 256 : i32
        %mul3A_252 = arith.muli %rem3A_250, %mul3A_251 : i32
        %multiple_of3A_253 = tpu.assume_multiple %mul3A_252, 256 : i32
        %ge3A_254 = arith.constant 4 : i32
        %ge3A_255 = arith.cmpi sge, %while3A_138, %ge3A_254 : i32
        %convert_element_type3A_256 = arith.extui %ge3A_255 : i1 to i32
        %cond3A_257 = arith.constant 0 : i32
        %cond3A_258 = arith.cmpi ne, %convert_element_type3A_256, %cond3A_257 : i32
        scf.if %cond3A_258 {
          %dma_wait3A = tpu.memref_slice %arg9[%multiple_of3A_253] : memref<1024xf32, #tpu.memory_space<vmem>> -> memref<256xf32, #tpu.memory_space<vmem>>
          %dma_wait3A_389 = arith.constant 0 : i32
          %dma_wait3A_390 = tpu.memref_slice %arg5[%multiple_of3A, %dma_wait3A_389] : memref<10000x256xf32, #tpu.memory_space<hbm>> -> memref<1x256xf32, #tpu.memory_space<hbm>>
          %dma_wait3A_391 = tpu.memref_squeeze %dma_wait3A_390 : memref<1x256xf32, #tpu.memory_space<hbm>> -> memref<256xf32, #tpu.memory_space<hbm>>
          %dma_wait3A_392 = tpu.memref_slice %arg11[%rem3A_250] : memref<4x!tpu.dma_semaphore, #tpu.memory_space<semaphore_mem>> -> memref<1x!tpu.dma_semaphore, #tpu.memory_space<semaphore_mem>>
          %dma_wait3A_393 = tpu.memref_squeeze %dma_wait3A_392 : memref<1x!tpu.dma_semaphore, #tpu.memory_space<semaphore_mem>> -> memref<!tpu.dma_semaphore, #tpu.memory_space<semaphore_mem>>
          %dma_wait3A_394 = tpu.memref_slice %arg9[%multiple_of3A_253] : memref<1024xf32, #tpu.memory_space<vmem>> -> memref<256xf32, #tpu.memory_space<vmem>>
          %dma_wait3A_395 = arith.constant 0 : i32
          %dma_wait3A_396 = tpu.memref_slice %arg5[%multiple_of3A, %dma_wait3A_395] : memref<10000x256xf32, #tpu.memory_space<hbm>> -> memref<1x256xf32, #tpu.memory_space<hbm>>
          %dma_wait3A_397 = tpu.memref_squeeze %dma_wait3A_396 : memref<1x256xf32, #tpu.memory_space<hbm>> -> memref<256xf32, #tpu.memory_space<hbm>>
          tpu.wait_dma2 semaphore(%dma_wait3A_393 : memref<!tpu.dma_semaphore, #tpu.memory_space<semaphore_mem>>) src(%dma_wait3A_397 : memref<256xf32, #tpu.memory_space<hbm>>) dst(%dma_wait3A_394 : memref<256xf32, #tpu.memory_space<vmem>>)
        } else {
        }
        %sub3A_259 = arith.subi %while3A_140, %while3A_139 : i32
        %convert_element_type3A_260 = arith.sitofp %sub3A_259 : i32 to f32
        %broadcast_in_dim3A_261 = vector.broadcast %convert_element_type3A_260 : f32 to vector<16xf32>
        %max3A_262 = arith.constant 1.000000e+00 : f32
        %max3A_263 = vector.broadcast %max3A_262 : f32 to vector<16xf32>
        %max3A_264 = arith.maximumf %broadcast_in_dim3A_261, %max3A_263 : vector<16xf32>
        %div3A_265 = arith.constant 1.000000e+00 : f32
        %div3A_266 = vector.broadcast %div3A_265 : f32 to vector<16xf32>
        %div3A_267 = arith.divf %div3A_266, %max3A_264 : vector<16xf32>
        %mul3A_268 = arith.mulf %while3A_180#0, %div3A_267 : vector<16xf32>
        %add3A_269 = arith.constant 0 : i32
        %add3A_270 = arith.addi %multiple_of3A_253, %add3A_269 : i32
        %swap3A = arith.index_cast %add3A_270 : i32 to index
        %swap3A_271 = tpu.vector_load %arg9[%swap3A] {strides = array<i32>} : memref<1024xf32, #tpu.memory_space<vmem>>, vector<16xf32>,
        %swap3A_272 = vector.shape_cast %swap3A_271 : vector<16xf32> to vector<16xf32>
        %swap3A_273 = vector.shape_cast %mul3A_268 : vector<16xf32> to vector<16xf32>
        tpu.vector_store %arg9[%swap3A], %swap3A_273 {strides = array<i32>} : memref<1024xf32, #tpu.memory_space<vmem>>, vector<16xf32>,
        %mul3A_274 = arith.mulf %while3A_180#1, %div3A_267 : vector<16xf32>
        %add3A_275 = arith.constant 16 : i32
        %add3A_276 = arith.addi %multiple_of3A_253, %add3A_275 : i32
        %swap3A_277 = arith.index_cast %add3A_276 : i32 to index
        %swap3A_278 = tpu.vector_load %arg9[%swap3A_277] {strides = array<i32>} : memref<1024xf32, #tpu.memory_space<vmem>>, vector<16xf32>,
        %swap3A_279 = vector.shape_cast %swap3A_278 : vector<16xf32> to vector<16xf32>
        %swap3A_280 = vector.shape_cast %mul3A_274 : vector<16xf32> to vector<16xf32>
        tpu.vector_store %arg9[%swap3A_277], %swap3A_280 {strides = array<i32>} : memref<1024xf32, #tpu.memory_space<vmem>>, vector<16xf32>,
        %mul3A_281 = arith.mulf %while3A_180#2, %div3A_267 : vector<16xf32>
        %add3A_282 = arith.constant 32 : i32
        %add3A_283 = arith.addi %multiple_of3A_253, %add3A_282 : i32
        %swap3A_284 = arith.index_cast %add3A_283 : i32 to index
        %swap3A_285 = tpu.vector_load %arg9[%swap3A_284] {strides = array<i32>} : memref<1024xf32, #tpu.memory_space<vmem>>, vector<16xf32>,
        %swap3A_286 = vector.shape_cast %swap3A_285 : vector<16xf32> to vector<16xf32>
        %swap3A_287 = vector.shape_cast %mul3A_281 : vector<16xf32> to vector<16xf32>
        tpu.vector_store %arg9[%swap3A_284], %swap3A_287 {strides = array<i32>} : memref<1024xf32, #tpu.memory_space<vmem>>, vector<16xf32>,
        %mul3A_288 = arith.mulf %while3A_180#3, %div3A_267 : vector<16xf32>
        %add3A_289 = arith.constant 48 : i32
        %add3A_290 = arith.addi %multiple_of3A_253, %add3A_289 : i32
        %swap3A_291 = arith.index_cast %add3A_290 : i32 to index
        %swap3A_292 = tpu.vector_load %arg9[%swap3A_291] {strides = array<i32>} : memref<1024xf32, #tpu.memory_space<vmem>>, vector<16xf32>,
        %swap3A_293 = vector.shape_cast %swap3A_292 : vector<16xf32> to vector<16xf32>
        %swap3A_294 = vector.shape_cast %mul3A_288 : vector<16xf32> to vector<16xf32>
        tpu.vector_store %arg9[%swap3A_291], %swap3A_294 {strides = array<i32>} : memref<1024xf32, #tpu.memory_space<vmem>>, vector<16xf32>,
        %mul3A_295 = arith.mulf %while3A_180#4, %div3A_267 : vector<16xf32>
        %add3A_296 = arith.constant 64 : i32
        %add3A_297 = arith.addi %multiple_of3A_253, %add3A_296 : i32
        %swap3A_298 = arith.index_cast %add3A_297 : i32 to index
        %swap3A_299 = tpu.vector_load %arg9[%swap3A_298] {strides = array<i32>} : memref<1024xf32, #tpu.memory_space<vmem>>, vector<16xf32>,
        %swap3A_300 = vector.shape_cast %swap3A_299 : vector<16xf32> to vector<16xf32>
        %swap3A_301 = vector.shape_cast %mul3A_295 : vector<16xf32> to vector<16xf32>
        tpu.vector_store %arg9[%swap3A_298], %swap3A_301 {strides = array<i32>} : memref<1024xf32, #tpu.memory_space<vmem>>, vector<16xf32>,
        %mul3A_302 = arith.mulf %while3A_180#5, %div3A_267 : vector<16xf32>
        %add3A_303 = arith.constant 80 : i32
        %add3A_304 = arith.addi %multiple_of3A_253, %add3A_303 : i32
        %swap3A_305 = arith.index_cast %add3A_304 : i32 to index
        %swap3A_306 = tpu.vector_load %arg9[%swap3A_305] {strides = array<i32>} : memref<1024xf32, #tpu.memory_space<vmem>>, vector<16xf32>,
        %swap3A_307 = vector.shape_cast %swap3A_306 : vector<16xf32> to vector<16xf32>
        %swap3A_308 = vector.shape_cast %mul3A_302 : vector<16xf32> to vector<16xf32>
        tpu.vector_store %arg9[%swap3A_305], %swap3A_308 {strides = array<i32>} : memref<1024xf32, #tpu.memory_space<vmem>>, vector<16xf32>,
        %mul3A_309 = arith.mulf %while3A_180#6, %div3A_267 : vector<16xf32>
        %add3A_310 = arith.constant 96 : i32
        %add3A_311 = arith.addi %multiple_of3A_253, %add3A_310 : i32
        %swap3A_312 = arith.index_cast %add3A_311 : i32 to index
        %swap3A_313 = tpu.vector_load %arg9[%swap3A_312] {strides = array<i32>} : memref<1024xf32, #tpu.memory_space<vmem>>, vector<16xf32>,
        %swap3A_314 = vector.shape_cast %swap3A_313 : vector<16xf32> to vector<16xf32>
        %swap3A_315 = vector.shape_cast %mul3A_309 : vector<16xf32> to vector<16xf32>
        tpu.vector_store %arg9[%swap3A_312], %swap3A_315 {strides = array<i32>} : memref<1024xf32, #tpu.memory_space<vmem>>, vector<16xf32>,
        %mul3A_316 = arith.mulf %while3A_180#7, %div3A_267 : vector<16xf32>
        %add3A_317 = arith.constant 112 : i32
        %add3A_318 = arith.addi %multiple_of3A_253, %add3A_317 : i32
        %swap3A_319 = arith.index_cast %add3A_318 : i32 to index
        %swap3A_320 = tpu.vector_load %arg9[%swap3A_319] {strides = array<i32>} : memref<1024xf32, #tpu.memory_space<vmem>>, vector<16xf32>,
        %swap3A_321 = vector.shape_cast %swap3A_320 : vector<16xf32> to vector<16xf32>
        %swap3A_322 = vector.shape_cast %mul3A_316 : vector<16xf32> to vector<16xf32>
        tpu.vector_store %arg9[%swap3A_319], %swap3A_322 {strides = array<i32>} : memref<1024xf32, #tpu.memory_space<vmem>>, vector<16xf32>,
        %mul3A_323 = arith.mulf %while3A_180#8, %div3A_267 : vector<16xf32>
        %add3A_324 = arith.constant 128 : i32
        %add3A_325 = arith.addi %multiple_of3A_253, %add3A_324 : i32
        %swap3A_326 = arith.index_cast %add3A_325 : i32 to index
        %swap3A_327 = tpu.vector_load %arg9[%swap3A_326] {strides = array<i32>} : memref<1024xf32, #tpu.memory_space<vmem>>, vector<16xf32>,
        %swap3A_328 = vector.shape_cast %swap3A_327 : vector<16xf32> to vector<16xf32>
        %swap3A_329 = vector.shape_cast %mul3A_323 : vector<16xf32> to vector<16xf32>
        tpu.vector_store %arg9[%swap3A_326], %swap3A_329 {strides = array<i32>} : memref<1024xf32, #tpu.memory_space<vmem>>, vector<16xf32>,
        %mul3A_330 = arith.mulf %while3A_180#9, %div3A_267 : vector<16xf32>
        %add3A_331 = arith.constant 144 : i32
        %add3A_332 = arith.addi %multiple_of3A_253, %add3A_331 : i32
        %swap3A_333 = arith.index_cast %add3A_332 : i32 to index
        %swap3A_334 = tpu.vector_load %arg9[%swap3A_333] {strides = array<i32>} : memref<1024xf32, #tpu.memory_space<vmem>>, vector<16xf32>,
        %swap3A_335 = vector.shape_cast %swap3A_334 : vector<16xf32> to vector<16xf32>
        %swap3A_336 = vector.shape_cast %mul3A_330 : vector<16xf32> to vector<16xf32>
        tpu.vector_store %arg9[%swap3A_333], %swap3A_336 {strides = array<i32>} : memref<1024xf32, #tpu.memory_space<vmem>>, vector<16xf32>,
        %mul3A_337 = arith.mulf %while3A_180#10, %div3A_267 : vector<16xf32>
        %add3A_338 = arith.constant 160 : i32
        %add3A_339 = arith.addi %multiple_of3A_253, %add3A_338 : i32
        %swap3A_340 = arith.index_cast %add3A_339 : i32 to index
        %swap3A_341 = tpu.vector_load %arg9[%swap3A_340] {strides = array<i32>} : memref<1024xf32, #tpu.memory_space<vmem>>, vector<16xf32>,
        %swap3A_342 = vector.shape_cast %swap3A_341 : vector<16xf32> to vector<16xf32>
        %swap3A_343 = vector.shape_cast %mul3A_337 : vector<16xf32> to vector<16xf32>
        tpu.vector_store %arg9[%swap3A_340], %swap3A_343 {strides = array<i32>} : memref<1024xf32, #tpu.memory_space<vmem>>, vector<16xf32>,
        %mul3A_344 = arith.mulf %while3A_180#11, %div3A_267 : vector<16xf32>
        %add3A_345 = arith.constant 176 : i32
        %add3A_346 = arith.addi %multiple_of3A_253, %add3A_345 : i32
        %swap3A_347 = arith.index_cast %add3A_346 : i32 to index
        %swap3A_348 = tpu.vector_load %arg9[%swap3A_347] {strides = array<i32>} : memref<1024xf32, #tpu.memory_space<vmem>>, vector<16xf32>,
        %swap3A_349 = vector.shape_cast %swap3A_348 : vector<16xf32> to vector<16xf32>
        %swap3A_350 = vector.shape_cast %mul3A_344 : vector<16xf32> to vector<16xf32>
        tpu.vector_store %arg9[%swap3A_347], %swap3A_350 {strides = array<i32>} : memref<1024xf32, #tpu.memory_space<vmem>>, vector<16xf32>,
        %mul3A_351 = arith.mulf %while3A_180#12, %div3A_267 : vector<16xf32>
        %add3A_352 = arith.constant 192 : i32
        %add3A_353 = arith.addi %multiple_of3A_253, %add3A_352 : i32
        %swap3A_354 = arith.index_cast %add3A_353 : i32 to index
        %swap3A_355 = tpu.vector_load %arg9[%swap3A_354] {strides = array<i32>} : memref<1024xf32, #tpu.memory_space<vmem>>, vector<16xf32>,
        %swap3A_356 = vector.shape_cast %swap3A_355 : vector<16xf32> to vector<16xf32>
        %swap3A_357 = vector.shape_cast %mul3A_351 : vector<16xf32> to vector<16xf32>
        tpu.vector_store %arg9[%swap3A_354], %swap3A_357 {strides = array<i32>} : memref<1024xf32, #tpu.memory_space<vmem>>, vector<16xf32>,
        %mul3A_358 = arith.mulf %while3A_180#13, %div3A_267 : vector<16xf32>
        %add3A_359 = arith.constant 208 : i32
        %add3A_360 = arith.addi %multiple_of3A_253, %add3A_359 : i32
        %swap3A_361 = arith.index_cast %add3A_360 : i32 to index
        %swap3A_362 = tpu.vector_load %arg9[%swap3A_361] {strides = array<i32>} : memref<1024xf32, #tpu.memory_space<vmem>>, vector<16xf32>,
        %swap3A_363 = vector.shape_cast %swap3A_362 : vector<16xf32> to vector<16xf32>
        %swap3A_364 = vector.shape_cast %mul3A_358 : vector<16xf32> to vector<16xf32>
        tpu.vector_store %arg9[%swap3A_361], %swap3A_364 {strides = array<i32>} : memref<1024xf32, #tpu.memory_space<vmem>>, vector<16xf32>,
        %mul3A_365 = arith.mulf %while3A_180#14, %div3A_267 : vector<16xf32>
        %add3A_366 = arith.constant 224 : i32
        %add3A_367 = arith.addi %multiple_of3A_253, %add3A_366 : i32
        %swap3A_368 = arith.index_cast %add3A_367 : i32 to index
        %swap3A_369 = tpu.vector_load %arg9[%swap3A_368] {strides = array<i32>} : memref<1024xf32, #tpu.memory_space<vmem>>, vector<16xf32>,
        %swap3A_370 = vector.shape_cast %swap3A_369 : vector<16xf32> to vector<16xf32>
        %swap3A_371 = vector.shape_cast %mul3A_365 : vector<16xf32> to vector<16xf32>
        tpu.vector_store %arg9[%swap3A_368], %swap3A_371 {strides = array<i32>} : memref<1024xf32, #tpu.memory_space<vmem>>, vector<16xf32>,
        %mul3A_372 = arith.mulf %while3A_180#15, %div3A_267 : vector<16xf32>
        %add3A_373 = arith.constant 240 : i32
        %add3A_374 = arith.addi %multiple_of3A_253, %add3A_373 : i32
        %swap3A_375 = arith.index_cast %add3A_374 : i32 to index
        %swap3A_376 = tpu.vector_load %arg9[%swap3A_375] {strides = array<i32>} : memref<1024xf32, #tpu.memory_space<vmem>>, vector<16xf32>,
        %swap3A_377 = vector.shape_cast %swap3A_376 : vector<16xf32> to vector<16xf32>
        %swap3A_378 = vector.shape_cast %mul3A_372 : vector<16xf32> to vector<16xf32>
        tpu.vector_store %arg9[%swap3A_375], %swap3A_378 {strides = array<i32>} : memref<1024xf32, #tpu.memory_space<vmem>>, vector<16xf32>,
        %add3A_379 = arith.addi %multiple_of3A, %while3A_138 : i32
        %dma_start3A = tpu.memref_slice %arg9[%multiple_of3A_253] : memref<1024xf32, #tpu.memory_space<vmem>> -> memref<256xf32, #tpu.memory_space<vmem>>
        %dma_start3A_380 = arith.constant 0 : i32
        %dma_start3A_381 = tpu.memref_slice %arg5[%add3A_379, %dma_start3A_380] : memref<10000x256xf32, #tpu.memory_space<hbm>> -> memref<1x256xf32, #tpu.memory_space<hbm>>
        %dma_start3A_382 = tpu.memref_squeeze %dma_start3A_381 : memref<1x256xf32, #tpu.memory_space<hbm>> -> memref<256xf32, #tpu.memory_space<hbm>>
        %dma_start3A_383 = tpu.memref_slice %arg11[%rem3A_250] : memref<4x!tpu.dma_semaphore, #tpu.memory_space<semaphore_mem>> -> memref<1x!tpu.dma_semaphore, #tpu.memory_space<semaphore_mem>>
        %dma_start3A_384 = tpu.memref_squeeze %dma_start3A_383 : memref<1x!tpu.dma_semaphore, #tpu.memory_space<semaphore_mem>> -> memref<!tpu.dma_semaphore, #tpu.memory_space<semaphore_mem>>
        %dma_start3A_385 = arith.constant 0 : i32
        %dma_start3A_386 = tpu.memref_slice %arg5[%add3A_379, %dma_start3A_385] : memref<10000x256xf32, #tpu.memory_space<hbm>> -> memref<1x256xf32, #tpu.memory_space<hbm>>
        %dma_start3A_387 = tpu.memref_squeeze %dma_start3A_386 : memref<1x256xf32, #tpu.memory_space<hbm>> -> memref<256xf32, #tpu.memory_space<hbm>>
        %dma_start3A_388 = tpu.memref_slice %arg9[%multiple_of3A_253] : memref<1024xf32, #tpu.memory_space<vmem>> -> memref<256xf32, #tpu.memory_space<vmem>>
        tpu.enqueue_dma source(%dma_start3A_388 : memref<256xf32, #tpu.memory_space<vmem>>) target(%dma_start3A_387 : memref<256xf32, #tpu.memory_space<hbm>>) target_semaphore(%dma_start3A_384 : memref<!tpu.dma_semaphore, #tpu.memory_space<semaphore_mem>>)
      } else {
      }
      %add3A_193 = arith.constant 8 : i32
      %add3A_194 = arith.addi %while3A_136, %add3A_193 : i32
      %sub3A_195 = arith.constant 1 : i32
      %sub3A_196 = arith.subi %add3A_194, %sub3A_195 : i32
      %lt3A_197 = arith.cmpi slt, %sub3A_196, %select_n3A_91 : i32
      %and3A_198 = arith.andi %and3A_189, %lt3A_197 : i1
      %add3A_199 = arith.constant 8 : i32
      %add3A_200 = arith.addi %while3A_136, %add3A_199 : i32
      %sub3A_201 = arith.constant 1 : i32
      %sub3A_202 = arith.subi %add3A_200, %sub3A_201 : i32
      %mul3A_203 = arith.constant 32 : i32
      %mul3A_204 = arith.muli %sub3A_202, %mul3A_203 : i32
      %add3A_205 = arith.addi %multiple_of3A_62, %mul3A_204 : i32
      %multiple_of3A_206 = tpu.assume_multiple %add3A_205, 8 : i32
      %add3A_207 = arith.constant 32 : i32
      %add3A_208 = arith.addi %multiple_of3A_206, %add3A_207 : i32
      %add3A_209 = arith.constant 2048 : i32
      %add3A_210 = arith.addi %while3A_141, %add3A_209 : i32
      %gt3A_211 = arith.cmpi sgt, %add3A_208, %add3A_210 : i32
      %and3A_212 = arith.andi %and3A_198, %gt3A_211 : i1
      %select_n3A_213 = arith.select %and3A_212, %multiple_of3A_206, %while3A_141 : i32
      %convert_element_type3A_214 = arith.extui %and3A_189 : i1 to i32
      %cond3A_215 = arith.constant 0 : i32
      %cond3A_216 = arith.cmpi ne, %convert_element_type3A_214, %cond3A_215 : i32
      scf.if %cond3A_216 {
        %convert_element_type3A_249 = arith.extui %and3A_198 : i1 to i32
        %cond3A_250 = arith.constant 0 : i32
        %cond3A_251 = arith.cmpi ne, %convert_element_type3A_249, %cond3A_250 : i32
        scf.if %cond3A_251 {
          %convert_element_type3A_271 = arith.extui %and3A_212 : i1 to i32
          %cond3A_272 = arith.constant 0 : i32
          %cond3A_273 = arith.cmpi ne, %convert_element_type3A_271, %cond3A_272 : i32
          scf.if %cond3A_273 {
            "tpu.region"() ({
              %run_scoped3A = tpu.sem_alloc : memref<!tpu.dma_semaphore, #tpu.memory_space<semaphore_mem>>
              %dma_start3A_308 = tpu.memref_slice %arg3[%multiple_of3A_206] : memref<162088xi32, #tpu.memory_space<hbm>> -> memref<2048xi32, #tpu.memory_space<hbm>>
              %dma_start3A_309 = tpu.memref_slice %arg3[%multiple_of3A_206] : memref<162088xi32, #tpu.memory_space<hbm>> -> memref<2048xi32, #tpu.memory_space<hbm>>
              tpu.enqueue_dma source(%dma_start3A_309 : memref<2048xi32, #tpu.memory_space<hbm>>) target(%arg7 : memref<2048xi32, #tpu.memory_space<vmem>>) target_semaphore(%run_scoped3A : memref<!tpu.dma_semaphore, #tpu.memory_space<semaphore_mem>>)
              %dma_wait3A_310 = tpu.memref_slice %arg3[%multiple_of3A_206] : memref<162088xi32, #tpu.memory_space<hbm>> -> memref<2048xi32, #tpu.memory_space<hbm>>
              %dma_wait3A_311 = tpu.memref_slice %arg3[%multiple_of3A_206] : memref<162088xi32, #tpu.memory_space<hbm>> -> memref<2048xi32, #tpu.memory_space<hbm>>
              tpu.wait_dma2 semaphore(%run_scoped3A : memref<!tpu.dma_semaphore, #tpu.memory_space<semaphore_mem>>) src(%dma_wait3A_311 : memref<2048xi32, #tpu.memory_space<hbm>>) dst(%arg7 : memref<2048xi32, #tpu.memory_space<vmem>>)
              tpu.yield
            }) : () -> ()
          } else {
          }
          %sub3A_274 = arith.subi %multiple_of3A_206, %select_n3A_213 : i32
          %add3A_275 = arith.constant 8 : i32
          %add3A_276 = arith.addi %while3A_136, %add3A_275 : i32
          %sub3A_277 = arith.constant 1 : i32
          %sub3A_278 = arith.subi %add3A_276, %sub3A_277 : i32
          %rem3A_279 = arith.constant 8 : i32
          %rem3A_280 = arith.remsi %sub3A_278, %rem3A_279 : i32
          %add3A_281 = arith.constant 0 : i32
          %add3A_282 = arith.addi %sub3A_274, %add3A_281 : i32
          %get3A_283 = arith.index_cast %add3A_282 : i32 to index
          %get3A_284 = tpu.vector_load %arg7[%get3A_283] {strides = array<i32>} : memref<2048xi32, #tpu.memory_space<vmem>>, vector<16xi32>,
          %get3A_285 = vector.shape_cast %get3A_284 : vector<16xi32> to vector<16xi32>
          %dma_start3A = arith.constant 0 : i32
          %dma_start3A_286 = arith.constant 0 : i32
          %dma_start3A_287 = tpu.memref_slice %arg8[%rem3A_280, %dma_start3A, %dma_start3A_286] : memref<8x32x256xf32, #tpu.memory_space<vmem>> -> memref<1x16x256xf32, #tpu.memory_space<vmem>>
          %dma_start3A_288 = tpu.memref_squeeze %dma_start3A_287 : memref<1x16x256xf32, #tpu.memory_space<vmem>> -> memref<16x256xf32, #tpu.memory_space<vmem>>
          %dma_start3A_289 = arith.constant 0 : i32
          %dma_start3A_290 = arith.constant 0 : i32
          %dma_start3A_291 = tpu.memref_slice %arg2[%dma_start3A_289, %dma_start3A_290] : memref<10000x256xf32, #tpu.memory_space<hbm>> -> memref<10000x256xf32, #tpu.memory_space<hbm>>
          %dma_start3A_292 = tpu.memref_slice %arg10[%rem3A_280] : memref<8x!tpu.dma_semaphore, #tpu.memory_space<semaphore_mem>> -> memref<1x!tpu.dma_semaphore, #tpu.memory_space<semaphore_mem>>
          %dma_start3A_293 = tpu.memref_squeeze %dma_start3A_292 : memref<1x!tpu.dma_semaphore, #tpu.memory_space<semaphore_mem>> -> memref<!tpu.dma_semaphore, #tpu.memory_space<semaphore_mem>>
          tpu.enqueue_indirect_dma source(%dma_start3A_291 : memref<10000x256xf32, #tpu.memory_space<hbm>>) target(%dma_start3A_288 : memref<16x256xf32, #tpu.memory_space<vmem>>) offsets(%get3A_285 : vector<16xi32>) semaphore(%dma_start3A_293 : memref<!tpu.dma_semaphore, #tpu.memory_space<semaphore_mem>>)
          %add3A_294 = arith.constant 16 : i32
          %add3A_295 = arith.addi %sub3A_274, %add3A_294 : i32
          %get3A_296 = arith.index_cast %add3A_295 : i32 to index
          %get3A_297 = tpu.vector_load %arg7[%get3A_296] {strides = array<i32>} : memref<2048xi32, #tpu.memory_space<vmem>>, vector<16xi32>,
          %get3A_298 = vector.shape_cast %get3A_297 : vector<16xi32> to vector<16xi32>
          %dma_start3A_299 = arith.constant 16 : i32
          %dma_start3A_300 = arith.constant 0 : i32
          %dma_start3A_301 = tpu.memref_slice %arg8[%rem3A_280, %dma_start3A_299, %dma_start3A_300] : memref<8x32x256xf32, #tpu.memory_space<vmem>> -> memref<1x16x256xf32, #tpu.memory_space<vmem>>
          %dma_start3A_302 = tpu.memref_squeeze %dma_start3A_301 : memref<1x16x256xf32, #tpu.memory_space<vmem>> -> memref<16x256xf32, #tpu.memory_space<vmem>>
          %dma_start3A_303 = arith.constant 0 : i32
          %dma_start3A_304 = arith.constant 0 : i32
          %dma_start3A_305 = tpu.memref_slice %arg2[%dma_start3A_303, %dma_start3A_304] : memref<10000x256xf32, #tpu.memory_space<hbm>> -> memref<10000x256xf32, #tpu.memory_space<hbm>>
          %dma_start3A_306 = tpu.memref_slice %arg10[%rem3A_280] : memref<8x!tpu.dma_semaphore, #tpu.memory_space<semaphore_mem>> -> memref<1x!tpu.dma_semaphore, #tpu.memory_space<semaphore_mem>>
          %dma_start3A_307 = tpu.memref_squeeze %dma_start3A_306 : memref<1x!tpu.dma_semaphore, #tpu.memory_space<semaphore_mem>> -> memref<!tpu.dma_semaphore, #tpu.memory_space<semaphore_mem>>
          tpu.enqueue_indirect_dma source(%dma_start3A_305 : memref<10000x256xf32, #tpu.memory_space<hbm>>) target(%dma_start3A_302 : memref<16x256xf32, #tpu.memory_space<vmem>>) offsets(%get3A_298 : vector<16xi32>) semaphore(%dma_start3A_307 : memref<!tpu.dma_semaphore, #tpu.memory_space<semaphore_mem>>)
        } else {
        }
        %add3A_252 = arith.constant 1 : i32
        %add3A_253 = arith.addi %while3A_136, %add3A_252 : i32
        %rem3A_254 = arith.constant 8 : i32
        %rem3A_255 = arith.remsi %add3A_253, %rem3A_254 : i32
        %dma_wait3A = arith.constant 0 : i32
        %dma_wait3A_256 = arith.constant 0 : i32
        %dma_wait3A_257 = tpu.memref_slice %arg8[%rem3A_255, %dma_wait3A, %dma_wait3A_256] : memref<8x32x256xf32, #tpu.memory_space<vmem>> -> memref<1x32x256xf32, #tpu.memory_space<vmem>>
        %dma_wait3A_258 = tpu.memref_squeeze %dma_wait3A_257 : memref<1x32x256xf32, #tpu.memory_space<vmem>> -> memref<32x256xf32, #tpu.memory_space<vmem>>
        %dma_wait3A_259 = arith.constant 0 : i32
        %dma_wait3A_260 = arith.constant 0 : i32
        %dma_wait3A_261 = tpu.memref_slice %arg2[%dma_wait3A_259, %dma_wait3A_260] : memref<10000x256xf32, #tpu.memory_space<hbm>> -> memref<32x256xf32, #tpu.memory_space<hbm>>
        %dma_wait3A_262 = tpu.memref_slice %arg10[%rem3A_255] : memref<8x!tpu.dma_semaphore, #tpu.memory_space<semaphore_mem>> -> memref<1x!tpu.dma_semaphore, #tpu.memory_space<semaphore_mem>>
        %dma_wait3A_263 = tpu.memref_squeeze %dma_wait3A_262 : memref<1x!tpu.dma_semaphore, #tpu.memory_space<semaphore_mem>> -> memref<!tpu.dma_semaphore, #tpu.memory_space<semaphore_mem>>
        %dma_wait3A_264 = arith.constant 0 : i32
        %dma_wait3A_265 = arith.constant 0 : i32
        %dma_wait3A_266 = tpu.memref_slice %arg8[%rem3A_255, %dma_wait3A_264, %dma_wait3A_265] : memref<8x32x256xf32, #tpu.memory_space<vmem>> -> memref<1x32x256xf32, #tpu.memory_space<vmem>>
        %dma_wait3A_267 = tpu.memref_squeeze %dma_wait3A_266 : memref<1x32x256xf32, #tpu.memory_space<vmem>> -> memref<32x256xf32, #tpu.memory_space<vmem>>
        %dma_wait3A_268 = arith.constant 0 : i32
        %dma_wait3A_269 = arith.constant 0 : i32
        %dma_wait3A_270 = tpu.memref_slice %arg2[%dma_wait3A_268, %dma_wait3A_269] : memref<10000x256xf32, #tpu.memory_space<hbm>> -> memref<32x256xf32, #tpu.memory_space<hbm>>
        tpu.wait_dma2 semaphore(%dma_wait3A_263 : memref<!tpu.dma_semaphore, #tpu.memory_space<semaphore_mem>>) src(%dma_wait3A_270 : memref<32x256xf32, #tpu.memory_space<hbm>>) dst(%dma_wait3A_267 : memref<32x256xf32, #tpu.memory_space<vmem>>)
      } else {
      }
      %add3A_217 = arith.constant 1 : i32
      %add3A_218 = arith.addi %while3A_138, %add3A_217 : i32
      %select_n3A_219 = arith.select %and3A_182, %add3A_218, %while3A_138 : i32
      %select_n3A_220 = arith.select %and3A_182, %while3A_140, %while3A_139 : i32
      %add3A_221 = arith.constant 1 : i32
      %add3A_222 = arith.addi %select_n3A_219, %add3A_221 : i32
      %add3A_223 = arith.addi %sub3A_25, %add3A_222 : i32
      %get3A_224 = arith.index_cast %add3A_223 : i32 to index
      %get3A_225 = tpu.vector_load %arg6[%get3A_224] {strides = array<i32>} : memref<344xi32, #tpu.memory_space<vmem>>, vector<16xi32>,
      %get3A_226 = vector.shape_cast %get3A_225 : vector<16xi32> to vector<16xi32>
      %slice3A_227 = vector.extract_strided_slice %get3A_226 {offsets = [0], sizes = [1], strides = [1]} : vector<16xi32> to vector<1xi32>
      %squeeze3A_228 = vector.extract %slice3A_227[0] : i32 from vector<1xi32>
      %select_n3A_229 = arith.select %and3A_182, %squeeze3A_228, %while3A_140 : i32
      %select_n3A_230 = arith.select %and3A_182, %broadcast_in_dim3A_93, %while3A_180#0 : vector<16xf32>
      %select_n3A_231 = arith.select %and3A_182, %broadcast_in_dim3A_93, %while3A_180#1 : vector<16xf32>
      %select_n3A_232 = arith.select %and3A_182, %broadcast_in_dim3A_93, %while3A_180#2 : vector<16xf32>
      %select_n3A_233 = arith.select %and3A_182, %broadcast_in_dim3A_93, %while3A_180#3 : vector<16xf32>
      %select_n3A_234 = arith.select %and3A_182, %broadcast_in_dim3A_93, %while3A_180#4 : vector<16xf32>
      %select_n3A_235 = arith.select %and3A_182, %broadcast_in_dim3A_93, %while3A_180#5 : vector<16xf32>
      %select_n3A_236 = arith.select %and3A_182, %broadcast_in_dim3A_93, %while3A_180#6 : vector<16xf32>
      %select_n3A_237 = arith.select %and3A_182, %broadcast_in_dim3A_93, %while3A_180#7 : vector<16xf32>
      %select_n3A_238 = arith.select %and3A_182, %broadcast_in_dim3A_93, %while3A_180#8 : vector<16xf32>
      %select_n3A_239 = arith.select %and3A_182, %broadcast_in_dim3A_93, %while3A_180#9 : vector<16xf32>
      %select_n3A_240 = arith.select %and3A_182, %broadcast_in_dim3A_93, %while3A_180#10 : vector<16xf32>
      %select_n3A_241 = arith.select %and3A_182, %broadcast_in_dim3A_93, %while3A_180#11 : vector<16xf32>
      %select_n3A_242 = arith.select %and3A_182, %broadcast_in_dim3A_93, %while3A_180#12 : vector<16xf32>
      %select_n3A_243 = arith.select %and3A_182, %broadcast_in_dim3A_93, %while3A_180#13 : vector<16xf32>
      %select_n3A_244 = arith.select %and3A_182, %broadcast_in_dim3A_93, %while3A_180#14 : vector<16xf32>
      %select_n3A_245 = arith.select %and3A_182, %broadcast_in_dim3A_93, %while3A_180#15 : vector<16xf32>
      %add3A_246 = arith.constant 1 : i32
      %add3A_247 = arith.addi %while3A_136, %add3A_246 : i32
      %select_n3A_248 = arith.select %and3A_189, %add3A_247, %while3A_136 : i32
      scf.yield %select_n3A_248, %add3A_181, %select_n3A_219, %select_n3A_220, %select_n3A_229, %select_n3A_213, %select_n3A_230, %select_n3A_231, %select_n3A_232, %select_n3A_233, %select_n3A_234, %select_n3A_235, %select_n3A_236, %select_n3A_237, %select_n3A_238, %select_n3A_239, %select_n3A_240, %select_n3A_241, %select_n3A_242, %select_n3A_243, %select_n3A_244, %select_n3A_245 : i32, i32, i32, i32, i32, i32, vector<16xf32>, vector<16xf32>, vector<16xf32>, vector<16xf32>, vector<16xf32>, vector<16xf32>, vector<16xf32>, vector<16xf32>, vector<16xf32>, vector<16xf32>, vector<16xf32>, vector<16xf32>, vector<16xf32>, vector<16xf32>, vector<16xf32>, vector<16xf32>
    }
    %while3A_113 = arith.constant 1 : i32
    %while3A_114:22 = scf.for %while3A_135 = %while3A_110 to %while3A_106 step %while3A_113 iter_args(%while3A_136 = %while3A_112#0, %while3A_137 = %while3A_112#1, %while3A_138 = %while3A_112#2, %while3A_139 = %while3A_112#3, %while3A_140 = %while3A_112#4, %while3A_141 = %while3A_112#5, %while3A_142 = %while3A_112#6, %while3A_143 = %while3A_112#7, %while3A_144 = %while3A_112#8, %while3A_145 = %while3A_112#9, %while3A_146 = %while3A_112#10, %while3A_147 = %while3A_112#11, %while3A_148 = %while3A_112#12, %while3A_149 = %while3A_112#13, %while3A_150 = %while3A_112#14, %while3A_151 = %while3A_112#15, %while3A_152 = %while3A_112#16, %while3A_153 = %while3A_112#17, %while3A_154 = %while3A_112#18, %while3A_155 = %while3A_112#19, %while3A_156 = %while3A_112#20, %while3A_157 = %while3A_112#21) -> (i32, i32, i32, i32, i32, i32, vector<16xf32>, vector<16xf32>, vector<16xf32>, vector<16xf32>, vector<16xf32>, vector<16xf32>, vector<16xf32>, vector<16xf32>, vector<16xf32>, vector<16xf32>, vector<16xf32>, vector<16xf32>, vector<16xf32>, vector<16xf32>, vector<16xf32>, vector<16xf32>)  : i32 {
      %rem3A_158 = arith.constant 8 : i32
      %rem3A_159 = arith.remsi %while3A_136, %rem3A_158 : i32
      %mul3A_160 = arith.constant 32 : i32
      %mul3A_161 = arith.muli %while3A_136, %mul3A_160 : i32
      %add3A_162 = arith.addi %multiple_of3A_62, %mul3A_161 : i32
      %add3A_163 = arith.constant 32 : i32
      %add3A_164 = arith.addi %add3A_162, %add3A_163 : i32
      %min3A_165 = arith.minsi %add3A_164, %squeeze3A_35 : i32
      %min3A_166 = arith.minsi %while3A_140, %min3A_165 : i32
      %sub3A_167 = arith.subi %min3A_166, %while3A_137 : i32
      %max3A = arith.constant 0 : i32
      %max3A_168 = arith.maxsi %sub3A_167, %max3A : i32
      %sub3A_169 = arith.subi %while3A_137, %add3A_162 : i32
      %add3A_170 = arith.addi %sub3A_169, %max3A_168 : i32
      %while3A_171 = arith.subi %add3A_170, %sub3A_169 : i32
      %while3A_172 = arith.addi %sub3A_169, %while3A_171 : i32
      %while3A_173 = arith.constant 1 : i32
      %while3A_174 = arith.divsi %while3A_171, %while3A_173 : i32
      %while3A_175 = arith.muli %while3A_174, %while3A_173 : i32
      %while3A_176 = arith.addi %sub3A_169, %while3A_175 : i32
      %while3A_177 = arith.constant 1 : i32
      %while3A_178:16 = scf.for %while3A_249 = %sub3A_169 to %while3A_176 step %while3A_177 iter_args(%while3A_250 = %while3A_142, %while3A_251 = %while3A_143, %while3A_252 = %while3A_144, %while3A_253 = %while3A_145, %while3A_254 = %while3A_146, %while3A_255 = %while3A_147, %while3A_256 = %while3A_148, %while3A_257 = %while3A_149, %while3A_258 = %while3A_150, %while3A_259 = %while3A_151, %while3A_260 = %while3A_152, %while3A_261 = %while3A_153, %while3A_262 = %while3A_154, %while3A_263 = %while3A_155, %while3A_264 = %while3A_156, %while3A_265 = %while3A_157) -> (vector<16xf32>, vector<16xf32>, vector<16xf32>, vector<16xf32>, vector<16xf32>, vector<16xf32>, vector<16xf32>, vector<16xf32>, vector<16xf32>, vector<16xf32>, vector<16xf32>, vector<16xf32>, vector<16xf32>, vector<16xf32>, vector<16xf32>, vector<16xf32>)  : i32 {
        %get3A_266 = arith.index_cast %rem3A_159 : i32 to index
        %get3A_267 = arith.index_cast %while3A_249 : i32 to index
        %get3A_268 = arith.constant 0 : index
        %get3A_269 = tpu.vector_load %arg8[%get3A_266, %get3A_267, %get3A_268] {strides = array<i32>} : memref<8x32x256xf32, #tpu.memory_space<vmem>>, vector<1x1x16xf32>,
        %get3A_270 = vector.shape_cast %get3A_269 : vector<1x1x16xf32> to vector<16xf32>
        %add3A_271 = arith.addf %while3A_250, %get3A_270 : vector<16xf32>
        %get3A_272 = arith.index_cast %rem3A_159 : i32 to index
        %get3A_273 = arith.index_cast %while3A_249 : i32 to index
        %get3A_274 = arith.constant 16 : index
        %get3A_275 = tpu.vector_load %arg8[%get3A_272, %get3A_273, %get3A_274] {strides = array<i32>} : memref<8x32x256xf32, #tpu.memory_space<vmem>>, vector<1x1x16xf32>,
        %get3A_276 = vector.shape_cast %get3A_275 : vector<1x1x16xf32> to vector<16xf32>
        %add3A_277 = arith.addf %while3A_251, %get3A_276 : vector<16xf32>
        %get3A_278 = arith.index_cast %rem3A_159 : i32 to index
        %get3A_279 = arith.index_cast %while3A_249 : i32 to index
        %get3A_280 = arith.constant 32 : index
        %get3A_281 = tpu.vector_load %arg8[%get3A_278, %get3A_279, %get3A_280] {strides = array<i32>} : memref<8x32x256xf32, #tpu.memory_space<vmem>>, vector<1x1x16xf32>,
        %get3A_282 = vector.shape_cast %get3A_281 : vector<1x1x16xf32> to vector<16xf32>
        %add3A_283 = arith.addf %while3A_252, %get3A_282 : vector<16xf32>
        %get3A_284 = arith.index_cast %rem3A_159 : i32 to index
        %get3A_285 = arith.index_cast %while3A_249 : i32 to index
        %get3A_286 = arith.constant 48 : index
        %get3A_287 = tpu.vector_load %arg8[%get3A_284, %get3A_285, %get3A_286] {strides = array<i32>} : memref<8x32x256xf32, #tpu.memory_space<vmem>>, vector<1x1x16xf32>,
        %get3A_288 = vector.shape_cast %get3A_287 : vector<1x1x16xf32> to vector<16xf32>
        %add3A_289 = arith.addf %while3A_253, %get3A_288 : vector<16xf32>
        %get3A_290 = arith.index_cast %rem3A_159 : i32 to index
        %get3A_291 = arith.index_cast %while3A_249 : i32 to index
        %get3A_292 = arith.constant 64 : index
        %get3A_293 = tpu.vector_load %arg8[%get3A_290, %get3A_291, %get3A_292] {strides = array<i32>} : memref<8x32x256xf32, #tpu.memory_space<vmem>>, vector<1x1x16xf32>,
        %get3A_294 = vector.shape_cast %get3A_293 : vector<1x1x16xf32> to vector<16xf32>
        %add3A_295 = arith.addf %while3A_254, %get3A_294 : vector<16xf32>
        %get3A_296 = arith.index_cast %rem3A_159 : i32 to index
        %get3A_297 = arith.index_cast %while3A_249 : i32 to index
        %get3A_298 = arith.constant 80 : index
        %get3A_299 = tpu.vector_load %arg8[%get3A_296, %get3A_297, %get3A_298] {strides = array<i32>} : memref<8x32x256xf32, #tpu.memory_space<vmem>>, vector<1x1x16xf32>,
        %get3A_300 = vector.shape_cast %get3A_299 : vector<1x1x16xf32> to vector<16xf32>
        %add3A_301 = arith.addf %while3A_255, %get3A_300 : vector<16xf32>
        %get3A_302 = arith.index_cast %rem3A_159 : i32 to index
        %get3A_303 = arith.index_cast %while3A_249 : i32 to index
        %get3A_304 = arith.constant 96 : index
        %get3A_305 = tpu.vector_load %arg8[%get3A_302, %get3A_303, %get3A_304] {strides = array<i32>} : memref<8x32x256xf32, #tpu.memory_space<vmem>>, vector<1x1x16xf32>,
        %get3A_306 = vector.shape_cast %get3A_305 : vector<1x1x16xf32> to vector<16xf32>
        %add3A_307 = arith.addf %while3A_256, %get3A_306 : vector<16xf32>
        %get3A_308 = arith.index_cast %rem3A_159 : i32 to index
        %get3A_309 = arith.index_cast %while3A_249 : i32 to index
        %get3A_310 = arith.constant 112 : index
        %get3A_311 = tpu.vector_load %arg8[%get3A_308, %get3A_309, %get3A_310] {strides = array<i32>} : memref<8x32x256xf32, #tpu.memory_space<vmem>>, vector<1x1x16xf32>,
        %get3A_312 = vector.shape_cast %get3A_311 : vector<1x1x16xf32> to vector<16xf32>
        %add3A_313 = arith.addf %while3A_257, %get3A_312 : vector<16xf32>
        %get3A_314 = arith.index_cast %rem3A_159 : i32 to index
        %get3A_315 = arith.index_cast %while3A_249 : i32 to index
        %get3A_316 = arith.constant 128 : index
        %get3A_317 = tpu.vector_load %arg8[%get3A_314, %get3A_315, %get3A_316] {strides = array<i32>} : memref<8x32x256xf32, #tpu.memory_space<vmem>>, vector<1x1x16xf32>,
        %get3A_318 = vector.shape_cast %get3A_317 : vector<1x1x16xf32> to vector<16xf32>
        %add3A_319 = arith.addf %while3A_258, %get3A_318 : vector<16xf32>
        %get3A_320 = arith.index_cast %rem3A_159 : i32 to index
        %get3A_321 = arith.index_cast %while3A_249 : i32 to index
        %get3A_322 = arith.constant 144 : index
        %get3A_323 = tpu.vector_load %arg8[%get3A_320, %get3A_321, %get3A_322] {strides = array<i32>} : memref<8x32x256xf32, #tpu.memory_space<vmem>>, vector<1x1x16xf32>,
        %get3A_324 = vector.shape_cast %get3A_323 : vector<1x1x16xf32> to vector<16xf32>
        %add3A_325 = arith.addf %while3A_259, %get3A_324 : vector<16xf32>
        %get3A_326 = arith.index_cast %rem3A_159 : i32 to index
        %get3A_327 = arith.index_cast %while3A_249 : i32 to index
        %get3A_328 = arith.constant 160 : index
        %get3A_329 = tpu.vector_load %arg8[%get3A_326, %get3A_327, %get3A_328] {strides = array<i32>} : memref<8x32x256xf32, #tpu.memory_space<vmem>>, vector<1x1x16xf32>,
        %get3A_330 = vector.shape_cast %get3A_329 : vector<1x1x16xf32> to vector<16xf32>
        %add3A_331 = arith.addf %while3A_260, %get3A_330 : vector<16xf32>
        %get3A_332 = arith.index_cast %rem3A_159 : i32 to index
        %get3A_333 = arith.index_cast %while3A_249 : i32 to index
        %get3A_334 = arith.constant 176 : index
        %get3A_335 = tpu.vector_load %arg8[%get3A_332, %get3A_333, %get3A_334] {strides = array<i32>} : memref<8x32x256xf32, #tpu.memory_space<vmem>>, vector<1x1x16xf32>,
        %get3A_336 = vector.shape_cast %get3A_335 : vector<1x1x16xf32> to vector<16xf32>
        %add3A_337 = arith.addf %while3A_261, %get3A_336 : vector<16xf32>
        %get3A_338 = arith.index_cast %rem3A_159 : i32 to index
        %get3A_339 = arith.index_cast %while3A_249 : i32 to index
        %get3A_340 = arith.constant 192 : index
        %get3A_341 = tpu.vector_load %arg8[%get3A_338, %get3A_339, %get3A_340] {strides = array<i32>} : memref<8x32x256xf32, #tpu.memory_space<vmem>>, vector<1x1x16xf32>,
        %get3A_342 = vector.shape_cast %get3A_341 : vector<1x1x16xf32> to vector<16xf32>
        %add3A_343 = arith.addf %while3A_262, %get3A_342 : vector<16xf32>
        %get3A_344 = arith.index_cast %rem3A_159 : i32 to index
        %get3A_345 = arith.index_cast %while3A_249 : i32 to index
        %get3A_346 = arith.constant 208 : index
        %get3A_347 = tpu.vector_load %arg8[%get3A_344, %get3A_345, %get3A_346] {strides = array<i32>} : memref<8x32x256xf32, #tpu.memory_space<vmem>>, vector<1x1x16xf32>,
        %get3A_348 = vector.shape_cast %get3A_347 : vector<1x1x16xf32> to vector<16xf32>
        %add3A_349 = arith.addf %while3A_263, %get3A_348 : vector<16xf32>
        %get3A_350 = arith.index_cast %rem3A_159 : i32 to index
        %get3A_351 = arith.index_cast %while3A_249 : i32 to index
        %get3A_352 = arith.constant 224 : index
        %get3A_353 = tpu.vector_load %arg8[%get3A_350, %get3A_351, %get3A_352] {strides = array<i32>} : memref<8x32x256xf32, #tpu.memory_space<vmem>>, vector<1x1x16xf32>,
        %get3A_354 = vector.shape_cast %get3A_353 : vector<1x1x16xf32> to vector<16xf32>
        %add3A_355 = arith.addf %while3A_264, %get3A_354 : vector<16xf32>
        %get3A_356 = arith.index_cast %rem3A_159 : i32 to index
        %get3A_357 = arith.index_cast %while3A_249 : i32 to index
        %get3A_358 = arith.constant 240 : index
        %get3A_359 = tpu.vector_load %arg8[%get3A_356, %get3A_357, %get3A_358] {strides = array<i32>} : memref<8x32x256xf32, #tpu.memory_space<vmem>>, vector<1x1x16xf32>,
        %get3A_360 = vector.shape_cast %get3A_359 : vector<1x1x16xf32> to vector<16xf32>
        %add3A_361 = arith.addf %while3A_265, %get3A_360 : vector<16xf32>
        scf.yield %add3A_271, %add3A_277, %add3A_283, %add3A_289, %add3A_295, %add3A_301, %add3A_307, %add3A_313, %add3A_319, %add3A_325, %add3A_331, %add3A_337, %add3A_343, %add3A_349, %add3A_355, %add3A_361 : vector<16xf32>, vector<16xf32>, vector<16xf32>, vector<16xf32>, vector<16xf32>, vector<16xf32>, vector<16xf32>, vector<16xf32>, vector<16xf32>, vector<16xf32>, vector<16xf32>, vector<16xf32>, vector<16xf32>, vector<16xf32>, vector<16xf32>, vector<16xf32>
      }
      %while3A_179 = arith.constant 1 : i32
      %while3A_180:16 = scf.for %while3A_249 = %while3A_176 to %while3A_172 step %while3A_179 iter_args(%while3A_250 = %while3A_178#0, %while3A_251 = %while3A_178#1, %while3A_252 = %while3A_178#2, %while3A_253 = %while3A_178#3, %while3A_254 = %while3A_178#4, %while3A_255 = %while3A_178#5, %while3A_256 = %while3A_178#6, %while3A_257 = %while3A_178#7, %while3A_258 = %while3A_178#8, %while3A_259 = %while3A_178#9, %while3A_260 = %while3A_178#10, %while3A_261 = %while3A_178#11, %while3A_262 = %while3A_178#12, %while3A_263 = %while3A_178#13, %while3A_264 = %while3A_178#14, %while3A_265 = %while3A_178#15) -> (vector<16xf32>, vector<16xf32>, vector<16xf32>, vector<16xf32>, vector<16xf32>, vector<16xf32>, vector<16xf32>, vector<16xf32>, vector<16xf32>, vector<16xf32>, vector<16xf32>, vector<16xf32>, vector<16xf32>, vector<16xf32>, vector<16xf32>, vector<16xf32>)  : i32 {
        %get3A_266 = arith.index_cast %rem3A_159 : i32 to index
        %get3A_267 = arith.index_cast %while3A_249 : i32 to index
        %get3A_268 = arith.constant 0 : index
        %get3A_269 = tpu.vector_load %arg8[%get3A_266, %get3A_267, %get3A_268] {strides = array<i32>} : memref<8x32x256xf32, #tpu.memory_space<vmem>>, vector<1x1x16xf32>,
        %get3A_270 = vector.shape_cast %get3A_269 : vector<1x1x16xf32> to vector<16xf32>
        %add3A_271 = arith.addf %while3A_250, %get3A_270 : vector<16xf32>
        %get3A_272 = arith.index_cast %rem3A_159 : i32 to index
        %get3A_273 = arith.index_cast %while3A_249 : i32 to index
        %get3A_274 = arith.constant 16 : index
        %get3A_275 = tpu.vector_load %arg8[%get3A_272, %get3A_273, %get3A_274] {strides = array<i32>} : memref<8x32x256xf32, #tpu.memory_space<vmem>>, vector<1x1x16xf32>,
        %get3A_276 = vector.shape_cast %get3A_275 : vector<1x1x16xf32> to vector<16xf32>
        %add3A_277 = arith.addf %while3A_251, %get3A_276 : vector<16xf32>
        %get3A_278 = arith.index_cast %rem3A_159 : i32 to index
        %get3A_279 = arith.index_cast %while3A_249 : i32 to index
        %get3A_280 = arith.constant 32 : index
        %get3A_281 = tpu.vector_load %arg8[%get3A_278, %get3A_279, %get3A_280] {strides = array<i32>} : memref<8x32x256xf32, #tpu.memory_space<vmem>>, vector<1x1x16xf32>,
        %get3A_282 = vector.shape_cast %get3A_281 : vector<1x1x16xf32> to vector<16xf32>
        %add3A_283 = arith.addf %while3A_252, %get3A_282 : vector<16xf32>
        %get3A_284 = arith.index_cast %rem3A_159 : i32 to index
        %get3A_285 = arith.index_cast %while3A_249 : i32 to index
        %get3A_286 = arith.constant 48 : index
        %get3A_287 = tpu.vector_load %arg8[%get3A_284, %get3A_285, %get3A_286] {strides = array<i32>} : memref<8x32x256xf32, #tpu.memory_space<vmem>>, vector<1x1x16xf32>,
        %get3A_288 = vector.shape_cast %get3A_287 : vector<1x1x16xf32> to vector<16xf32>
        %add3A_289 = arith.addf %while3A_253, %get3A_288 : vector<16xf32>
        %get3A_290 = arith.index_cast %rem3A_159 : i32 to index
        %get3A_291 = arith.index_cast %while3A_249 : i32 to index
        %get3A_292 = arith.constant 64 : index
        %get3A_293 = tpu.vector_load %arg8[%get3A_290, %get3A_291, %get3A_292] {strides = array<i32>} : memref<8x32x256xf32, #tpu.memory_space<vmem>>, vector<1x1x16xf32>,
        %get3A_294 = vector.shape_cast %get3A_293 : vector<1x1x16xf32> to vector<16xf32>
        %add3A_295 = arith.addf %while3A_254, %get3A_294 : vector<16xf32>
        %get3A_296 = arith.index_cast %rem3A_159 : i32 to index
        %get3A_297 = arith.index_cast %while3A_249 : i32 to index
        %get3A_298 = arith.constant 80 : index
        %get3A_299 = tpu.vector_load %arg8[%get3A_296, %get3A_297, %get3A_298] {strides = array<i32>} : memref<8x32x256xf32, #tpu.memory_space<vmem>>, vector<1x1x16xf32>,
        %get3A_300 = vector.shape_cast %get3A_299 : vector<1x1x16xf32> to vector<16xf32>
        %add3A_301 = arith.addf %while3A_255, %get3A_300 : vector<16xf32>
        %get3A_302 = arith.index_cast %rem3A_159 : i32 to index
        %get3A_303 = arith.index_cast %while3A_249 : i32 to index
        %get3A_304 = arith.constant 96 : index
        %get3A_305 = tpu.vector_load %arg8[%get3A_302, %get3A_303, %get3A_304] {strides = array<i32>} : memref<8x32x256xf32, #tpu.memory_space<vmem>>, vector<1x1x16xf32>,
        %get3A_306 = vector.shape_cast %get3A_305 : vector<1x1x16xf32> to vector<16xf32>
        %add3A_307 = arith.addf %while3A_256, %get3A_306 : vector<16xf32>
        %get3A_308 = arith.index_cast %rem3A_159 : i32 to index
        %get3A_309 = arith.index_cast %while3A_249 : i32 to index
        %get3A_310 = arith.constant 112 : index
        %get3A_311 = tpu.vector_load %arg8[%get3A_308, %get3A_309, %get3A_310] {strides = array<i32>} : memref<8x32x256xf32, #tpu.memory_space<vmem>>, vector<1x1x16xf32>,
        %get3A_312 = vector.shape_cast %get3A_311 : vector<1x1x16xf32> to vector<16xf32>
        %add3A_313 = arith.addf %while3A_257, %get3A_312 : vector<16xf32>
        %get3A_314 = arith.index_cast %rem3A_159 : i32 to index
        %get3A_315 = arith.index_cast %while3A_249 : i32 to index
        %get3A_316 = arith.constant 128 : index
        %get3A_317 = tpu.vector_load %arg8[%get3A_314, %get3A_315, %get3A_316] {strides = array<i32>} : memref<8x32x256xf32, #tpu.memory_space<vmem>>, vector<1x1x16xf32>,
        %get3A_318 = vector.shape_cast %get3A_317 : vector<1x1x16xf32> to vector<16xf32>
        %add3A_319 = arith.addf %while3A_258, %get3A_318 : vector<16xf32>
        %get3A_320 = arith.index_cast %rem3A_159 : i32 to index
        %get3A_321 = arith.index_cast %while3A_249 : i32 to index
        %get3A_322 = arith.constant 144 : index
        %get3A_323 = tpu.vector_load %arg8[%get3A_320, %get3A_321, %get3A_322] {strides = array<i32>} : memref<8x32x256xf32, #tpu.memory_space<vmem>>, vector<1x1x16xf32>,
        %get3A_324 = vector.shape_cast %get3A_323 : vector<1x1x16xf32> to vector<16xf32>
        %add3A_325 = arith.addf %while3A_259, %get3A_324 : vector<16xf32>
        %get3A_326 = arith.index_cast %rem3A_159 : i32 to index
        %get3A_327 = arith.index_cast %while3A_249 : i32 to index
        %get3A_328 = arith.constant 160 : index
        %get3A_329 = tpu.vector_load %arg8[%get3A_326, %get3A_327, %get3A_328] {strides = array<i32>} : memref<8x32x256xf32, #tpu.memory_space<vmem>>, vector<1x1x16xf32>,
        %get3A_330 = vector.shape_cast %get3A_329 : vector<1x1x16xf32> to vector<16xf32>
        %add3A_331 = arith.addf %while3A_260, %get3A_330 : vector<16xf32>
        %get3A_332 = arith.index_cast %rem3A_159 : i32 to index
        %get3A_333 = arith.index_cast %while3A_249 : i32 to index
        %get3A_334 = arith.constant 176 : index
        %get3A_335 = tpu.vector_load %arg8[%get3A_332, %get3A_333, %get3A_334] {strides = array<i32>} : memref<8x32x256xf32, #tpu.memory_space<vmem>>, vector<1x1x16xf32>,
        %get3A_336 = vector.shape_cast %get3A_335 : vector<1x1x16xf32> to vector<16xf32>
        %add3A_337 = arith.addf %while3A_261, %get3A_336 : vector<16xf32>
        %get3A_338 = arith.index_cast %rem3A_159 : i32 to index
        %get3A_339 = arith.index_cast %while3A_249 : i32 to index
        %get3A_340 = arith.constant 192 : index
        %get3A_341 = tpu.vector_load %arg8[%get3A_338, %get3A_339, %get3A_340] {strides = array<i32>} : memref<8x32x256xf32, #tpu.memory_space<vmem>>, vector<1x1x16xf32>,
        %get3A_342 = vector.shape_cast %get3A_341 : vector<1x1x16xf32> to vector<16xf32>
        %add3A_343 = arith.addf %while3A_262, %get3A_342 : vector<16xf32>
        %get3A_344 = arith.index_cast %rem3A_159 : i32 to index
        %get3A_345 = arith.index_cast %while3A_249 : i32 to index
        %get3A_346 = arith.constant 208 : index
        %get3A_347 = tpu.vector_load %arg8[%get3A_344, %get3A_345, %get3A_346] {strides = array<i32>} : memref<8x32x256xf32, #tpu.memory_space<vmem>>, vector<1x1x16xf32>,
        %get3A_348 = vector.shape_cast %get3A_347 : vector<1x1x16xf32> to vector<16xf32>
        %add3A_349 = arith.addf %while3A_263, %get3A_348 : vector<16xf32>
        %get3A_350 = arith.index_cast %rem3A_159 : i32 to index
        %get3A_351 = arith.index_cast %while3A_249 : i32 to index
        %get3A_352 = arith.constant 224 : index
        %get3A_353 = tpu.vector_load %arg8[%get3A_350, %get3A_351, %get3A_352] {strides = array<i32>} : memref<8x32x256xf32, #tpu.memory_space<vmem>>, vector<1x1x16xf32>,
        %get3A_354 = vector.shape_cast %get3A_353 : vector<1x1x16xf32> to vector<16xf32>
        %add3A_355 = arith.addf %while3A_264, %get3A_354 : vector<16xf32>
        %get3A_356 = arith.index_cast %rem3A_159 : i32 to index
        %get3A_357 = arith.index_cast %while3A_249 : i32 to index
        %get3A_358 = arith.constant 240 : index
        %get3A_359 = tpu.vector_load %arg8[%get3A_356, %get3A_357, %get3A_358] {strides = array<i32>} : memref<8x32x256xf32, #tpu.memory_space<vmem>>, vector<1x1x16xf32>,
        %get3A_360 = vector.shape_cast %get3A_359 : vector<1x1x16xf32> to vector<16xf32>
        %add3A_361 = arith.addf %while3A_265, %get3A_360 : vector<16xf32>
        scf.yield %add3A_271, %add3A_277, %add3A_283, %add3A_289, %add3A_295, %add3A_301, %add3A_307, %add3A_313, %add3A_319, %add3A_325, %add3A_331, %add3A_337, %add3A_343, %add3A_349, %add3A_355, %add3A_361 : vector<16xf32>, vector<16xf32>, vector<16xf32>, vector<16xf32>, vector<16xf32>, vector<16xf32>, vector<16xf32>, vector<16xf32>, vector<16xf32>, vector<16xf32>, vector<16xf32>, vector<16xf32>, vector<16xf32>, vector<16xf32>, vector<16xf32>, vector<16xf32>
      }
      %add3A_181 = arith.addi %while3A_137, %max3A_168 : i32
      %ge3A = arith.cmpi sge, %add3A_181, %while3A_140 : i32
      %lt3A = arith.cmpi slt, %while3A_138, %min3A_4 : i32
      %and3A_182 = arith.andi %ge3A, %lt3A : i1
      %not3A = arith.constant true
      %not3A_183 = arith.xori %and3A_182, %not3A : i1
      %ge3A_184 = arith.cmpi sge, %add3A_181, %min3A_165 : i32
      %add3A_185 = arith.constant 1 : i32
      %add3A_186 = arith.addi %while3A_136, %add3A_185 : i32
      %lt3A_187 = arith.cmpi slt, %add3A_186, %select_n3A_91 : i32
      %and3A_188 = arith.andi %ge3A_184, %lt3A_187 : i1
      %and3A_189 = arith.andi %not3A_183, %and3A_188 : i1
      %convert_element_type3A_190 = arith.extui %and3A_182 : i1 to i32
      %cond3A_191 = arith.constant 0 : i32
      %cond3A_192 = arith.cmpi ne, %convert_element_type3A_190, %cond3A_191 : i32
      scf.if %cond3A_192 {
        %rem3A_249 = arith.constant 4 : i32
        %rem3A_250 = arith.remsi %while3A_138, %rem3A_249 : i32
        %mul3A_251 = arith.constant 256 : i32
        %mul3A_252 = arith.muli %rem3A_250, %mul3A_251 : i32
        %multiple_of3A_253 = tpu.assume_multiple %mul3A_252, 256 : i32
        %ge3A_254 = arith.constant 4 : i32
        %ge3A_255 = arith.cmpi sge, %while3A_138, %ge3A_254 : i32
        %convert_element_type3A_256 = arith.extui %ge3A_255 : i1 to i32
        %cond3A_257 = arith.constant 0 : i32
        %cond3A_258 = arith.cmpi ne, %convert_element_type3A_256, %cond3A_257 : i32
        scf.if %cond3A_258 {
          %dma_wait3A = tpu.memref_slice %arg9[%multiple_of3A_253] : memref<1024xf32, #tpu.memory_space<vmem>> -> memref<256xf32, #tpu.memory_space<vmem>>
          %dma_wait3A_389 = arith.constant 0 : i32
          %dma_wait3A_390 = tpu.memref_slice %arg5[%multiple_of3A, %dma_wait3A_389] : memref<10000x256xf32, #tpu.memory_space<hbm>> -> memref<1x256xf32, #tpu.memory_space<hbm>>
          %dma_wait3A_391 = tpu.memref_squeeze %dma_wait3A_390 : memref<1x256xf32, #tpu.memory_space<hbm>> -> memref<256xf32, #tpu.memory_space<hbm>>
          %dma_wait3A_392 = tpu.memref_slice %arg11[%rem3A_250] : memref<4x!tpu.dma_semaphore, #tpu.memory_space<semaphore_mem>> -> memref<1x!tpu.dma_semaphore, #tpu.memory_space<semaphore_mem>>
          %dma_wait3A_393 = tpu.memref_squeeze %dma_wait3A_392 : memref<1x!tpu.dma_semaphore, #tpu.memory_space<semaphore_mem>> -> memref<!tpu.dma_semaphore, #tpu.memory_space<semaphore_mem>>
          %dma_wait3A_394 = tpu.memref_slice %arg9[%multiple_of3A_253] : memref<1024xf32, #tpu.memory_space<vmem>> -> memref<256xf32, #tpu.memory_space<vmem>>
          %dma_wait3A_395 = arith.constant 0 : i32
          %dma_wait3A_396 = tpu.memref_slice %arg5[%multiple_of3A, %dma_wait3A_395] : memref<10000x256xf32, #tpu.memory_space<hbm>> -> memref<1x256xf32, #tpu.memory_space<hbm>>
          %dma_wait3A_397 = tpu.memref_squeeze %dma_wait3A_396 : memref<1x256xf32, #tpu.memory_space<hbm>> -> memref<256xf32, #tpu.memory_space<hbm>>
          tpu.wait_dma2 semaphore(%dma_wait3A_393 : memref<!tpu.dma_semaphore, #tpu.memory_space<semaphore_mem>>) src(%dma_wait3A_397 : memref<256xf32, #tpu.memory_space<hbm>>) dst(%dma_wait3A_394 : memref<256xf32, #tpu.memory_space<vmem>>)
        } else {
        }
        %sub3A_259 = arith.subi %while3A_140, %while3A_139 : i32
        %convert_element_type3A_260 = arith.sitofp %sub3A_259 : i32 to f32
        %broadcast_in_dim3A_261 = vector.broadcast %convert_element_type3A_260 : f32 to vector<16xf32>
        %max3A_262 = arith.constant 1.000000e+00 : f32
        %max3A_263 = vector.broadcast %max3A_262 : f32 to vector<16xf32>
        %max3A_264 = arith.maximumf %broadcast_in_dim3A_261, %max3A_263 : vector<16xf32>
        %div3A_265 = arith.constant 1.000000e+00 : f32
        %div3A_266 = vector.broadcast %div3A_265 : f32 to vector<16xf32>
        %div3A_267 = arith.divf %div3A_266, %max3A_264 : vector<16xf32>
        %mul3A_268 = arith.mulf %while3A_180#0, %div3A_267 : vector<16xf32>
        %add3A_269 = arith.constant 0 : i32
        %add3A_270 = arith.addi %multiple_of3A_253, %add3A_269 : i32
        %swap3A = arith.index_cast %add3A_270 : i32 to index
        %swap3A_271 = tpu.vector_load %arg9[%swap3A] {strides = array<i32>} : memref<1024xf32, #tpu.memory_space<vmem>>, vector<16xf32>,
        %swap3A_272 = vector.shape_cast %swap3A_271 : vector<16xf32> to vector<16xf32>
        %swap3A_273 = vector.shape_cast %mul3A_268 : vector<16xf32> to vector<16xf32>
        tpu.vector_store %arg9[%swap3A], %swap3A_273 {strides = array<i32>} : memref<1024xf32, #tpu.memory_space<vmem>>, vector<16xf32>,
        %mul3A_274 = arith.mulf %while3A_180#1, %div3A_267 : vector<16xf32>
        %add3A_275 = arith.constant 16 : i32
        %add3A_276 = arith.addi %multiple_of3A_253, %add3A_275 : i32
        %swap3A_277 = arith.index_cast %add3A_276 : i32 to index
        %swap3A_278 = tpu.vector_load %arg9[%swap3A_277] {strides = array<i32>} : memref<1024xf32, #tpu.memory_space<vmem>>, vector<16xf32>,
        %swap3A_279 = vector.shape_cast %swap3A_278 : vector<16xf32> to vector<16xf32>
        %swap3A_280 = vector.shape_cast %mul3A_274 : vector<16xf32> to vector<16xf32>
        tpu.vector_store %arg9[%swap3A_277], %swap3A_280 {strides = array<i32>} : memref<1024xf32, #tpu.memory_space<vmem>>, vector<16xf32>,
        %mul3A_281 = arith.mulf %while3A_180#2, %div3A_267 : vector<16xf32>
        %add3A_282 = arith.constant 32 : i32
        %add3A_283 = arith.addi %multiple_of3A_253, %add3A_282 : i32
        %swap3A_284 = arith.index_cast %add3A_283 : i32 to index
        %swap3A_285 = tpu.vector_load %arg9[%swap3A_284] {strides = array<i32>} : memref<1024xf32, #tpu.memory_space<vmem>>, vector<16xf32>,
        %swap3A_286 = vector.shape_cast %swap3A_285 : vector<16xf32> to vector<16xf32>
        %swap3A_287 = vector.shape_cast %mul3A_281 : vector<16xf32> to vector<16xf32>
        tpu.vector_store %arg9[%swap3A_284], %swap3A_287 {strides = array<i32>} : memref<1024xf32, #tpu.memory_space<vmem>>, vector<16xf32>,
        %mul3A_288 = arith.mulf %while3A_180#3, %div3A_267 : vector<16xf32>
        %add3A_289 = arith.constant 48 : i32
        %add3A_290 = arith.addi %multiple_of3A_253, %add3A_289 : i32
        %swap3A_291 = arith.index_cast %add3A_290 : i32 to index
        %swap3A_292 = tpu.vector_load %arg9[%swap3A_291] {strides = array<i32>} : memref<1024xf32, #tpu.memory_space<vmem>>, vector<16xf32>,
        %swap3A_293 = vector.shape_cast %swap3A_292 : vector<16xf32> to vector<16xf32>
        %swap3A_294 = vector.shape_cast %mul3A_288 : vector<16xf32> to vector<16xf32>
        tpu.vector_store %arg9[%swap3A_291], %swap3A_294 {strides = array<i32>} : memref<1024xf32, #tpu.memory_space<vmem>>, vector<16xf32>,
        %mul3A_295 = arith.mulf %while3A_180#4, %div3A_267 : vector<16xf32>
        %add3A_296 = arith.constant 64 : i32
        %add3A_297 = arith.addi %multiple_of3A_253, %add3A_296 : i32
        %swap3A_298 = arith.index_cast %add3A_297 : i32 to index
        %swap3A_299 = tpu.vector_load %arg9[%swap3A_298] {strides = array<i32>} : memref<1024xf32, #tpu.memory_space<vmem>>, vector<16xf32>,
        %swap3A_300 = vector.shape_cast %swap3A_299 : vector<16xf32> to vector<16xf32>
        %swap3A_301 = vector.shape_cast %mul3A_295 : vector<16xf32> to vector<16xf32>
        tpu.vector_store %arg9[%swap3A_298], %swap3A_301 {strides = array<i32>} : memref<1024xf32, #tpu.memory_space<vmem>>, vector<16xf32>,
        %mul3A_302 = arith.mulf %while3A_180#5, %div3A_267 : vector<16xf32>
        %add3A_303 = arith.constant 80 : i32
        %add3A_304 = arith.addi %multiple_of3A_253, %add3A_303 : i32
        %swap3A_305 = arith.index_cast %add3A_304 : i32 to index
        %swap3A_306 = tpu.vector_load %arg9[%swap3A_305] {strides = array<i32>} : memref<1024xf32, #tpu.memory_space<vmem>>, vector<16xf32>,
        %swap3A_307 = vector.shape_cast %swap3A_306 : vector<16xf32> to vector<16xf32>
        %swap3A_308 = vector.shape_cast %mul3A_302 : vector<16xf32> to vector<16xf32>
        tpu.vector_store %arg9[%swap3A_305], %swap3A_308 {strides = array<i32>} : memref<1024xf32, #tpu.memory_space<vmem>>, vector<16xf32>,
        %mul3A_309 = arith.mulf %while3A_180#6, %div3A_267 : vector<16xf32>
        %add3A_310 = arith.constant 96 : i32
        %add3A_311 = arith.addi %multiple_of3A_253, %add3A_310 : i32
        %swap3A_312 = arith.index_cast %add3A_311 : i32 to index
        %swap3A_313 = tpu.vector_load %arg9[%swap3A_312] {strides = array<i32>} : memref<1024xf32, #tpu.memory_space<vmem>>, vector<16xf32>,
        %swap3A_314 = vector.shape_cast %swap3A_313 : vector<16xf32> to vector<16xf32>
        %swap3A_315 = vector.shape_cast %mul3A_309 : vector<16xf32> to vector<16xf32>
        tpu.vector_store %arg9[%swap3A_312], %swap3A_315 {strides = array<i32>} : memref<1024xf32, #tpu.memory_space<vmem>>, vector<16xf32>,
        %mul3A_316 = arith.mulf %while3A_180#7, %div3A_267 : vector<16xf32>
        %add3A_317 = arith.constant 112 : i32
        %add3A_318 = arith.addi %multiple_of3A_253, %add3A_317 : i32
        %swap3A_319 = arith.index_cast %add3A_318 : i32 to index
        %swap3A_320 = tpu.vector_load %arg9[%swap3A_319] {strides = array<i32>} : memref<1024xf32, #tpu.memory_space<vmem>>, vector<16xf32>,
        %swap3A_321 = vector.shape_cast %swap3A_320 : vector<16xf32> to vector<16xf32>
        %swap3A_322 = vector.shape_cast %mul3A_316 : vector<16xf32> to vector<16xf32>
        tpu.vector_store %arg9[%swap3A_319], %swap3A_322 {strides = array<i32>} : memref<1024xf32, #tpu.memory_space<vmem>>, vector<16xf32>,
        %mul3A_323 = arith.mulf %while3A_180#8, %div3A_267 : vector<16xf32>
        %add3A_324 = arith.constant 128 : i32
        %add3A_325 = arith.addi %multiple_of3A_253, %add3A_324 : i32
        %swap3A_326 = arith.index_cast %add3A_325 : i32 to index
        %swap3A_327 = tpu.vector_load %arg9[%swap3A_326] {strides = array<i32>} : memref<1024xf32, #tpu.memory_space<vmem>>, vector<16xf32>,
        %swap3A_328 = vector.shape_cast %swap3A_327 : vector<16xf32> to vector<16xf32>
        %swap3A_329 = vector.shape_cast %mul3A_323 : vector<16xf32> to vector<16xf32>
        tpu.vector_store %arg9[%swap3A_326], %swap3A_329 {strides = array<i32>} : memref<1024xf32, #tpu.memory_space<vmem>>, vector<16xf32>,
        %mul3A_330 = arith.mulf %while3A_180#9, %div3A_267 : vector<16xf32>
        %add3A_331 = arith.constant 144 : i32
        %add3A_332 = arith.addi %multiple_of3A_253, %add3A_331 : i32
        %swap3A_333 = arith.index_cast %add3A_332 : i32 to index
        %swap3A_334 = tpu.vector_load %arg9[%swap3A_333] {strides = array<i32>} : memref<1024xf32, #tpu.memory_space<vmem>>, vector<16xf32>,
        %swap3A_335 = vector.shape_cast %swap3A_334 : vector<16xf32> to vector<16xf32>
        %swap3A_336 = vector.shape_cast %mul3A_330 : vector<16xf32> to vector<16xf32>
        tpu.vector_store %arg9[%swap3A_333], %swap3A_336 {strides = array<i32>} : memref<1024xf32, #tpu.memory_space<vmem>>, vector<16xf32>,
        %mul3A_337 = arith.mulf %while3A_180#10, %div3A_267 : vector<16xf32>
        %add3A_338 = arith.constant 160 : i32
        %add3A_339 = arith.addi %multiple_of3A_253, %add3A_338 : i32
        %swap3A_340 = arith.index_cast %add3A_339 : i32 to index
        %swap3A_341 = tpu.vector_load %arg9[%swap3A_340] {strides = array<i32>} : memref<1024xf32, #tpu.memory_space<vmem>>, vector<16xf32>,
        %swap3A_342 = vector.shape_cast %swap3A_341 : vector<16xf32> to vector<16xf32>
        %swap3A_343 = vector.shape_cast %mul3A_337 : vector<16xf32> to vector<16xf32>
        tpu.vector_store %arg9[%swap3A_340], %swap3A_343 {strides = array<i32>} : memref<1024xf32, #tpu.memory_space<vmem>>, vector<16xf32>,
        %mul3A_344 = arith.mulf %while3A_180#11, %div3A_267 : vector<16xf32>
        %add3A_345 = arith.constant 176 : i32
        %add3A_346 = arith.addi %multiple_of3A_253, %add3A_345 : i32
        %swap3A_347 = arith.index_cast %add3A_346 : i32 to index
        %swap3A_348 = tpu.vector_load %arg9[%swap3A_347] {strides = array<i32>} : memref<1024xf32, #tpu.memory_space<vmem>>, vector<16xf32>,
        %swap3A_349 = vector.shape_cast %swap3A_348 : vector<16xf32> to vector<16xf32>
        %swap3A_350 = vector.shape_cast %mul3A_344 : vector<16xf32> to vector<16xf32>
        tpu.vector_store %arg9[%swap3A_347], %swap3A_350 {strides = array<i32>} : memref<1024xf32, #tpu.memory_space<vmem>>, vector<16xf32>,
        %mul3A_351 = arith.mulf %while3A_180#12, %div3A_267 : vector<16xf32>
        %add3A_352 = arith.constant 192 : i32
        %add3A_353 = arith.addi %multiple_of3A_253, %add3A_352 : i32
        %swap3A_354 = arith.index_cast %add3A_353 : i32 to index
        %swap3A_355 = tpu.vector_load %arg9[%swap3A_354] {strides = array<i32>} : memref<1024xf32, #tpu.memory_space<vmem>>, vector<16xf32>,
        %swap3A_356 = vector.shape_cast %swap3A_355 : vector<16xf32> to vector<16xf32>
        %swap3A_357 = vector.shape_cast %mul3A_351 : vector<16xf32> to vector<16xf32>
        tpu.vector_store %arg9[%swap3A_354], %swap3A_357 {strides = array<i32>} : memref<1024xf32, #tpu.memory_space<vmem>>, vector<16xf32>,
        %mul3A_358 = arith.mulf %while3A_180#13, %div3A_267 : vector<16xf32>
        %add3A_359 = arith.constant 208 : i32
        %add3A_360 = arith.addi %multiple_of3A_253, %add3A_359 : i32
        %swap3A_361 = arith.index_cast %add3A_360 : i32 to index
        %swap3A_362 = tpu.vector_load %arg9[%swap3A_361] {strides = array<i32>} : memref<1024xf32, #tpu.memory_space<vmem>>, vector<16xf32>,
        %swap3A_363 = vector.shape_cast %swap3A_362 : vector<16xf32> to vector<16xf32>
        %swap3A_364 = vector.shape_cast %mul3A_358 : vector<16xf32> to vector<16xf32>
        tpu.vector_store %arg9[%swap3A_361], %swap3A_364 {strides = array<i32>} : memref<1024xf32, #tpu.memory_space<vmem>>, vector<16xf32>,
        %mul3A_365 = arith.mulf %while3A_180#14, %div3A_267 : vector<16xf32>
        %add3A_366 = arith.constant 224 : i32
        %add3A_367 = arith.addi %multiple_of3A_253, %add3A_366 : i32
        %swap3A_368 = arith.index_cast %add3A_367 : i32 to index
        %swap3A_369 = tpu.vector_load %arg9[%swap3A_368] {strides = array<i32>} : memref<1024xf32, #tpu.memory_space<vmem>>, vector<16xf32>,
        %swap3A_370 = vector.shape_cast %swap3A_369 : vector<16xf32> to vector<16xf32>
        %swap3A_371 = vector.shape_cast %mul3A_365 : vector<16xf32> to vector<16xf32>
        tpu.vector_store %arg9[%swap3A_368], %swap3A_371 {strides = array<i32>} : memref<1024xf32, #tpu.memory_space<vmem>>, vector<16xf32>,
        %mul3A_372 = arith.mulf %while3A_180#15, %div3A_267 : vector<16xf32>
        %add3A_373 = arith.constant 240 : i32
        %add3A_374 = arith.addi %multiple_of3A_253, %add3A_373 : i32
        %swap3A_375 = arith.index_cast %add3A_374 : i32 to index
        %swap3A_376 = tpu.vector_load %arg9[%swap3A_375] {strides = array<i32>} : memref<1024xf32, #tpu.memory_space<vmem>>, vector<16xf32>,
        %swap3A_377 = vector.shape_cast %swap3A_376 : vector<16xf32> to vector<16xf32>
        %swap3A_378 = vector.shape_cast %mul3A_372 : vector<16xf32> to vector<16xf32>
        tpu.vector_store %arg9[%swap3A_375], %swap3A_378 {strides = array<i32>} : memref<1024xf32, #tpu.memory_space<vmem>>, vector<16xf32>,
        %add3A_379 = arith.addi %multiple_of3A, %while3A_138 : i32
        %dma_start3A = tpu.memref_slice %arg9[%multiple_of3A_253] : memref<1024xf32, #tpu.memory_space<vmem>> -> memref<256xf32, #tpu.memory_space<vmem>>
        %dma_start3A_380 = arith.constant 0 : i32
        %dma_start3A_381 = tpu.memref_slice %arg5[%add3A_379, %dma_start3A_380] : memref<10000x256xf32, #tpu.memory_space<hbm>> -> memref<1x256xf32, #tpu.memory_space<hbm>>
        %dma_start3A_382 = tpu.memref_squeeze %dma_start3A_381 : memref<1x256xf32, #tpu.memory_space<hbm>> -> memref<256xf32, #tpu.memory_space<hbm>>
        %dma_start3A_383 = tpu.memref_slice %arg11[%rem3A_250] : memref<4x!tpu.dma_semaphore, #tpu.memory_space<semaphore_mem>> -> memref<1x!tpu.dma_semaphore, #tpu.memory_space<semaphore_mem>>
        %dma_start3A_384 = tpu.memref_squeeze %dma_start3A_383 : memref<1x!tpu.dma_semaphore, #tpu.memory_space<semaphore_mem>> -> memref<!tpu.dma_semaphore, #tpu.memory_space<semaphore_mem>>
        %dma_start3A_385 = arith.constant 0 : i32
        %dma_start3A_386 = tpu.memref_slice %arg5[%add3A_379, %dma_start3A_385] : memref<10000x256xf32, #tpu.memory_space<hbm>> -> memref<1x256xf32, #tpu.memory_space<hbm>>
        %dma_start3A_387 = tpu.memref_squeeze %dma_start3A_386 : memref<1x256xf32, #tpu.memory_space<hbm>> -> memref<256xf32, #tpu.memory_space<hbm>>
        %dma_start3A_388 = tpu.memref_slice %arg9[%multiple_of3A_253] : memref<1024xf32, #tpu.memory_space<vmem>> -> memref<256xf32, #tpu.memory_space<vmem>>
        tpu.enqueue_dma source(%dma_start3A_388 : memref<256xf32, #tpu.memory_space<vmem>>) target(%dma_start3A_387 : memref<256xf32, #tpu.memory_space<hbm>>) target_semaphore(%dma_start3A_384 : memref<!tpu.dma_semaphore, #tpu.memory_space<semaphore_mem>>)
      } else {
      }
      %add3A_193 = arith.constant 8 : i32
      %add3A_194 = arith.addi %while3A_136, %add3A_193 : i32
      %sub3A_195 = arith.constant 1 : i32
      %sub3A_196 = arith.subi %add3A_194, %sub3A_195 : i32
      %lt3A_197 = arith.cmpi slt, %sub3A_196, %select_n3A_91 : i32
      %and3A_198 = arith.andi %and3A_189, %lt3A_197 : i1
      %add3A_199 = arith.constant 8 : i32
      %add3A_200 = arith.addi %while3A_136, %add3A_199 : i32
      %sub3A_201 = arith.constant 1 : i32
      %sub3A_202 = arith.subi %add3A_200, %sub3A_201 : i32
      %mul3A_203 = arith.constant 32 : i32
      %mul3A_204 = arith.muli %sub3A_202, %mul3A_203 : i32
      %add3A_205 = arith.addi %multiple_of3A_62, %mul3A_204 : i32
      %multiple_of3A_206 = tpu.assume_multiple %add3A_205, 8 : i32
      %add3A_207 = arith.constant 32 : i32
      %add3A_208 = arith.addi %multiple_of3A_206, %add3A_207 : i32
      %add3A_209 = arith.constant 2048 : i32
      %add3A_210 = arith.addi %while3A_141, %add3A_209 : i32
      %gt3A_211 = arith.cmpi sgt, %add3A_208, %add3A_210 : i32
      %and3A_212 = arith.andi %and3A_198, %gt3A_211 : i1
      %select_n3A_213 = arith.select %and3A_212, %multiple_of3A_206, %while3A_141 : i32
      %convert_element_type3A_214 = arith.extui %and3A_189 : i1 to i32
      %cond3A_215 = arith.constant 0 : i32
      %cond3A_216 = arith.cmpi ne, %convert_element_type3A_214, %cond3A_215 : i32
      scf.if %cond3A_216 {
        %convert_element_type3A_249 = arith.extui %and3A_198 : i1 to i32
        %cond3A_250 = arith.constant 0 : i32
        %cond3A_251 = arith.cmpi ne, %convert_element_type3A_249, %cond3A_250 : i32
        scf.if %cond3A_251 {
          %convert_element_type3A_271 = arith.extui %and3A_212 : i1 to i32
          %cond3A_272 = arith.constant 0 : i32
          %cond3A_273 = arith.cmpi ne, %convert_element_type3A_271, %cond3A_272 : i32
          scf.if %cond3A_273 {
            "tpu.region"() ({
              %run_scoped3A = tpu.sem_alloc : memref<!tpu.dma_semaphore, #tpu.memory_space<semaphore_mem>>
              %dma_start3A_308 = tpu.memref_slice %arg3[%multiple_of3A_206] : memref<162088xi32, #tpu.memory_space<hbm>> -> memref<2048xi32, #tpu.memory_space<hbm>>
              %dma_start3A_309 = tpu.memref_slice %arg3[%multiple_of3A_206] : memref<162088xi32, #tpu.memory_space<hbm>> -> memref<2048xi32, #tpu.memory_space<hbm>>
              tpu.enqueue_dma source(%dma_start3A_309 : memref<2048xi32, #tpu.memory_space<hbm>>) target(%arg7 : memref<2048xi32, #tpu.memory_space<vmem>>) target_semaphore(%run_scoped3A : memref<!tpu.dma_semaphore, #tpu.memory_space<semaphore_mem>>)
              %dma_wait3A_310 = tpu.memref_slice %arg3[%multiple_of3A_206] : memref<162088xi32, #tpu.memory_space<hbm>> -> memref<2048xi32, #tpu.memory_space<hbm>>
              %dma_wait3A_311 = tpu.memref_slice %arg3[%multiple_of3A_206] : memref<162088xi32, #tpu.memory_space<hbm>> -> memref<2048xi32, #tpu.memory_space<hbm>>
              tpu.wait_dma2 semaphore(%run_scoped3A : memref<!tpu.dma_semaphore, #tpu.memory_space<semaphore_mem>>) src(%dma_wait3A_311 : memref<2048xi32, #tpu.memory_space<hbm>>) dst(%arg7 : memref<2048xi32, #tpu.memory_space<vmem>>)
              tpu.yield
            }) : () -> ()
          } else {
          }
          %sub3A_274 = arith.subi %multiple_of3A_206, %select_n3A_213 : i32
          %add3A_275 = arith.constant 8 : i32
          %add3A_276 = arith.addi %while3A_136, %add3A_275 : i32
          %sub3A_277 = arith.constant 1 : i32
          %sub3A_278 = arith.subi %add3A_276, %sub3A_277 : i32
          %rem3A_279 = arith.constant 8 : i32
          %rem3A_280 = arith.remsi %sub3A_278, %rem3A_279 : i32
          %add3A_281 = arith.constant 0 : i32
          %add3A_282 = arith.addi %sub3A_274, %add3A_281 : i32
          %get3A_283 = arith.index_cast %add3A_282 : i32 to index
          %get3A_284 = tpu.vector_load %arg7[%get3A_283] {strides = array<i32>} : memref<2048xi32, #tpu.memory_space<vmem>>, vector<16xi32>,
          %get3A_285 = vector.shape_cast %get3A_284 : vector<16xi32> to vector<16xi32>
          %dma_start3A = arith.constant 0 : i32
          %dma_start3A_286 = arith.constant 0 : i32
          %dma_start3A_287 = tpu.memref_slice %arg8[%rem3A_280, %dma_start3A, %dma_start3A_286] : memref<8x32x256xf32, #tpu.memory_space<vmem>> -> memref<1x16x256xf32, #tpu.memory_space<vmem>>
          %dma_start3A_288 = tpu.memref_squeeze %dma_start3A_287 : memref<1x16x256xf32, #tpu.memory_space<vmem>> -> memref<16x256xf32, #tpu.memory_space<vmem>>
          %dma_start3A_289 = arith.constant 0 : i32
          %dma_start3A_290 = arith.constant 0 : i32
          %dma_start3A_291 = tpu.memref_slice %arg2[%dma_start3A_289, %dma_start3A_290] : memref<10000x256xf32, #tpu.memory_space<hbm>> -> memref<10000x256xf32, #tpu.memory_space<hbm>>
          %dma_start3A_292 = tpu.memref_slice %arg10[%rem3A_280] : memref<8x!tpu.dma_semaphore, #tpu.memory_space<semaphore_mem>> -> memref<1x!tpu.dma_semaphore, #tpu.memory_space<semaphore_mem>>
          %dma_start3A_293 = tpu.memref_squeeze %dma_start3A_292 : memref<1x!tpu.dma_semaphore, #tpu.memory_space<semaphore_mem>> -> memref<!tpu.dma_semaphore, #tpu.memory_space<semaphore_mem>>
          tpu.enqueue_indirect_dma source(%dma_start3A_291 : memref<10000x256xf32, #tpu.memory_space<hbm>>) target(%dma_start3A_288 : memref<16x256xf32, #tpu.memory_space<vmem>>) offsets(%get3A_285 : vector<16xi32>) semaphore(%dma_start3A_293 : memref<!tpu.dma_semaphore, #tpu.memory_space<semaphore_mem>>)
          %add3A_294 = arith.constant 16 : i32
          %add3A_295 = arith.addi %sub3A_274, %add3A_294 : i32
          %get3A_296 = arith.index_cast %add3A_295 : i32 to index
          %get3A_297 = tpu.vector_load %arg7[%get3A_296] {strides = array<i32>} : memref<2048xi32, #tpu.memory_space<vmem>>, vector<16xi32>,
          %get3A_298 = vector.shape_cast %get3A_297 : vector<16xi32> to vector<16xi32>
          %dma_start3A_299 = arith.constant 16 : i32
          %dma_start3A_300 = arith.constant 0 : i32
          %dma_start3A_301 = tpu.memref_slice %arg8[%rem3A_280, %dma_start3A_299, %dma_start3A_300] : memref<8x32x256xf32, #tpu.memory_space<vmem>> -> memref<1x16x256xf32, #tpu.memory_space<vmem>>
          %dma_start3A_302 = tpu.memref_squeeze %dma_start3A_301 : memref<1x16x256xf32, #tpu.memory_space<vmem>> -> memref<16x256xf32, #tpu.memory_space<vmem>>
          %dma_start3A_303 = arith.constant 0 : i32
          %dma_start3A_304 = arith.constant 0 : i32
          %dma_start3A_305 = tpu.memref_slice %arg2[%dma_start3A_303, %dma_start3A_304] : memref<10000x256xf32, #tpu.memory_space<hbm>> -> memref<10000x256xf32, #tpu.memory_space<hbm>>
          %dma_start3A_306 = tpu.memref_slice %arg10[%rem3A_280] : memref<8x!tpu.dma_semaphore, #tpu.memory_space<semaphore_mem>> -> memref<1x!tpu.dma_semaphore, #tpu.memory_space<semaphore_mem>>
          %dma_start3A_307 = tpu.memref_squeeze %dma_start3A_306 : memref<1x!tpu.dma_semaphore, #tpu.memory_space<semaphore_mem>> -> memref<!tpu.dma_semaphore, #tpu.memory_space<semaphore_mem>>
          tpu.enqueue_indirect_dma source(%dma_start3A_305 : memref<10000x256xf32, #tpu.memory_space<hbm>>) target(%dma_start3A_302 : memref<16x256xf32, #tpu.memory_space<vmem>>) offsets(%get3A_298 : vector<16xi32>) semaphore(%dma_start3A_307 : memref<!tpu.dma_semaphore, #tpu.memory_space<semaphore_mem>>)
        } else {
        }
        %add3A_252 = arith.constant 1 : i32
        %add3A_253 = arith.addi %while3A_136, %add3A_252 : i32
        %rem3A_254 = arith.constant 8 : i32
        %rem3A_255 = arith.remsi %add3A_253, %rem3A_254 : i32
        %dma_wait3A = arith.constant 0 : i32
        %dma_wait3A_256 = arith.constant 0 : i32
        %dma_wait3A_257 = tpu.memref_slice %arg8[%rem3A_255, %dma_wait3A, %dma_wait3A_256] : memref<8x32x256xf32, #tpu.memory_space<vmem>> -> memref<1x32x256xf32, #tpu.memory_space<vmem>>
        %dma_wait3A_258 = tpu.memref_squeeze %dma_wait3A_257 : memref<1x32x256xf32, #tpu.memory_space<vmem>> -> memref<32x256xf32, #tpu.memory_space<vmem>>
        %dma_wait3A_259 = arith.constant 0 : i32
        %dma_wait3A_260 = arith.constant 0 : i32
        %dma_wait3A_261 = tpu.memref_slice %arg2[%dma_wait3A_259, %dma_wait3A_260] : memref<10000x256xf32, #tpu.memory_space<hbm>> -> memref<32x256xf32, #tpu.memory_space<hbm>>
        %dma_wait3A_262 = tpu.memref_slice %arg10[%rem3A_255] : memref<8x!tpu.dma_semaphore, #tpu.memory_space<semaphore_mem>> -> memref<1x!tpu.dma_semaphore, #tpu.memory_space<semaphore_mem>>
        %dma_wait3A_263 = tpu.memref_squeeze %dma_wait3A_262 : memref<1x!tpu.dma_semaphore, #tpu.memory_space<semaphore_mem>> -> memref<!tpu.dma_semaphore, #tpu.memory_space<semaphore_mem>>
        %dma_wait3A_264 = arith.constant 0 : i32
        %dma_wait3A_265 = arith.constant 0 : i32
        %dma_wait3A_266 = tpu.memref_slice %arg8[%rem3A_255, %dma_wait3A_264, %dma_wait3A_265] : memref<8x32x256xf32, #tpu.memory_space<vmem>> -> memref<1x32x256xf32, #tpu.memory_space<vmem>>
        %dma_wait3A_267 = tpu.memref_squeeze %dma_wait3A_266 : memref<1x32x256xf32, #tpu.memory_space<vmem>> -> memref<32x256xf32, #tpu.memory_space<vmem>>
        %dma_wait3A_268 = arith.constant 0 : i32
        %dma_wait3A_269 = arith.constant 0 : i32
        %dma_wait3A_270 = tpu.memref_slice %arg2[%dma_wait3A_268, %dma_wait3A_269] : memref<10000x256xf32, #tpu.memory_space<hbm>> -> memref<32x256xf32, #tpu.memory_space<hbm>>
        tpu.wait_dma2 semaphore(%dma_wait3A_263 : memref<!tpu.dma_semaphore, #tpu.memory_space<semaphore_mem>>) src(%dma_wait3A_270 : memref<32x256xf32, #tpu.memory_space<hbm>>) dst(%dma_wait3A_267 : memref<32x256xf32, #tpu.memory_space<vmem>>)
      } else {
      }
      %add3A_217 = arith.constant 1 : i32
      %add3A_218 = arith.addi %while3A_138, %add3A_217 : i32
      %select_n3A_219 = arith.select %and3A_182, %add3A_218, %while3A_138 : i32
      %select_n3A_220 = arith.select %and3A_182, %while3A_140, %while3A_139 : i32
      %add3A_221 = arith.constant 1 : i32
      %add3A_222 = arith.addi %select_n3A_219, %add3A_221 : i32
      %add3A_223 = arith.addi %sub3A_25, %add3A_222 : i32
      %get3A_224 = arith.index_cast %add3A_223 : i32 to index
      %get3A_225 = tpu.vector_load %arg6[%get3A_224] {strides = array<i32>} : memref<344xi32, #tpu.memory_space<vmem>>, vector<16xi32>,
      %get3A_226 = vector.shape_cast %get3A_225 : vector<16xi32> to vector<16xi32>
      %slice3A_227 = vector.extract_strided_slice %get3A_226 {offsets = [0], sizes = [1], strides = [1]} : vector<16xi32> to vector<1xi32>
      %squeeze3A_228 = vector.extract %slice3A_227[0] : i32 from vector<1xi32>
      %select_n3A_229 = arith.select %and3A_182, %squeeze3A_228, %while3A_140 : i32
      %select_n3A_230 = arith.select %and3A_182, %broadcast_in_dim3A_93, %while3A_180#0 : vector<16xf32>
      %select_n3A_231 = arith.select %and3A_182, %broadcast_in_dim3A_93, %while3A_180#1 : vector<16xf32>
      %select_n3A_232 = arith.select %and3A_182, %broadcast_in_dim3A_93, %while3A_180#2 : vector<16xf32>
      %select_n3A_233 = arith.select %and3A_182, %broadcast_in_dim3A_93, %while3A_180#3 : vector<16xf32>
      %select_n3A_234 = arith.select %and3A_182, %broadcast_in_dim3A_93, %while3A_180#4 : vector<16xf32>
      %select_n3A_235 = arith.select %and3A_182, %broadcast_in_dim3A_93, %while3A_180#5 : vector<16xf32>
      %select_n3A_236 = arith.select %and3A_182, %broadcast_in_dim3A_93, %while3A_180#6 : vector<16xf32>
      %select_n3A_237 = arith.select %and3A_182, %broadcast_in_dim3A_93, %while3A_180#7 : vector<16xf32>
      %select_n3A_238 = arith.select %and3A_182, %broadcast_in_dim3A_93, %while3A_180#8 : vector<16xf32>
      %select_n3A_239 = arith.select %and3A_182, %broadcast_in_dim3A_93, %while3A_180#9 : vector<16xf32>
      %select_n3A_240 = arith.select %and3A_182, %broadcast_in_dim3A_93, %while3A_180#10 : vector<16xf32>
      %select_n3A_241 = arith.select %and3A_182, %broadcast_in_dim3A_93, %while3A_180#11 : vector<16xf32>
      %select_n3A_242 = arith.select %and3A_182, %broadcast_in_dim3A_93, %while3A_180#12 : vector<16xf32>
      %select_n3A_243 = arith.select %and3A_182, %broadcast_in_dim3A_93, %while3A_180#13 : vector<16xf32>
      %select_n3A_244 = arith.select %and3A_182, %broadcast_in_dim3A_93, %while3A_180#14 : vector<16xf32>
      %select_n3A_245 = arith.select %and3A_182, %broadcast_in_dim3A_93, %while3A_180#15 : vector<16xf32>
      %add3A_246 = arith.constant 1 : i32
      %add3A_247 = arith.addi %while3A_136, %add3A_246 : i32
      %select_n3A_248 = arith.select %and3A_189, %add3A_247, %while3A_136 : i32
      scf.yield %select_n3A_248, %add3A_181, %select_n3A_219, %select_n3A_220, %select_n3A_229, %select_n3A_213, %select_n3A_230, %select_n3A_231, %select_n3A_232, %select_n3A_233, %select_n3A_234, %select_n3A_235, %select_n3A_236, %select_n3A_237, %select_n3A_238, %select_n3A_239, %select_n3A_240, %select_n3A_241, %select_n3A_242, %select_n3A_243, %select_n3A_244, %select_n3A_245 : i32, i32, i32, i32, i32, i32, vector<16xf32>, vector<16xf32>, vector<16xf32>, vector<16xf32>, vector<16xf32>, vector<16xf32>, vector<16xf32>, vector<16xf32>, vector<16xf32>, vector<16xf32>, vector<16xf32>, vector<16xf32>, vector<16xf32>, vector<16xf32>, vector<16xf32>, vector<16xf32>
    }
    %gt3A_115 = arith.constant 0 : i32
    %gt3A_116 = arith.cmpi sgt, %min3A_4, %gt3A_115 : i32
    %convert_element_type3A_117 = arith.extui %gt3A_116 : i1 to i32
    %cond3A_118 = arith.constant 0 : i32
    %cond3A_119 = arith.cmpi ne, %convert_element_type3A_117, %cond3A_118 : i32
    scf.if %cond3A_119 {
      %sub3A_135 = arith.constant 1 : i32
      %sub3A_136 = arith.subi %min3A_4, %sub3A_135 : i32
      %sub3A_137 = arith.constant 0 : i32
      %sub3A_138 = arith.subi %sub3A_136, %sub3A_137 : i32
      %rem3A_139 = arith.constant 4 : i32
      %rem3A_140 = arith.remsi %sub3A_138, %rem3A_139 : i32
      %mul3A_141 = arith.constant 256 : i32
      %mul3A_142 = arith.muli %rem3A_140, %mul3A_141 : i32
      %multiple_of3A_143 = tpu.assume_multiple %mul3A_142, 256 : i32
      %dma_wait3A = tpu.memref_slice %arg9[%multiple_of3A_143] : memref<1024xf32, #tpu.memory_space<vmem>> -> memref<256xf32, #tpu.memory_space<vmem>>
      %dma_wait3A_144 = arith.constant 0 : i32
      %dma_wait3A_145 = tpu.memref_slice %arg5[%multiple_of3A, %dma_wait3A_144] : memref<10000x256xf32, #tpu.memory_space<hbm>> -> memref<1x256xf32, #tpu.memory_space<hbm>>
      %dma_wait3A_146 = tpu.memref_squeeze %dma_wait3A_145 : memref<1x256xf32, #tpu.memory_space<hbm>> -> memref<256xf32, #tpu.memory_space<hbm>>
      %dma_wait3A_147 = tpu.memref_slice %arg11[%rem3A_140] : memref<4x!tpu.dma_semaphore, #tpu.memory_space<semaphore_mem>> -> memref<1x!tpu.dma_semaphore, #tpu.memory_space<semaphore_mem>>
      %dma_wait3A_148 = tpu.memref_squeeze %dma_wait3A_147 : memref<1x!tpu.dma_semaphore, #tpu.memory_space<semaphore_mem>> -> memref<!tpu.dma_semaphore, #tpu.memory_space<semaphore_mem>>
      %dma_wait3A_149 = tpu.memref_slice %arg9[%multiple_of3A_143] : memref<1024xf32, #tpu.memory_space<vmem>> -> memref<256xf32, #tpu.memory_space<vmem>>
      %dma_wait3A_150 = arith.constant 0 : i32
      %dma_wait3A_151 = tpu.memref_slice %arg5[%multiple_of3A, %dma_wait3A_150] : memref<10000x256xf32, #tpu.memory_space<hbm>> -> memref<1x256xf32, #tpu.memory_space<hbm>>
      %dma_wait3A_152 = tpu.memref_squeeze %dma_wait3A_151 : memref<1x256xf32, #tpu.memory_space<hbm>> -> memref<256xf32, #tpu.memory_space<hbm>>
      tpu.wait_dma2 semaphore(%dma_wait3A_148 : memref<!tpu.dma_semaphore, #tpu.memory_space<semaphore_mem>>) src(%dma_wait3A_152 : memref<256xf32, #tpu.memory_space<hbm>>) dst(%dma_wait3A_149 : memref<256xf32, #tpu.memory_space<vmem>>)
    } else {
    }
    %gt3A_120 = arith.constant 1 : i32
    %gt3A_121 = arith.cmpi sgt, %min3A_4, %gt3A_120 : i32
    %convert_element_type3A_122 = arith.extui %gt3A_121 : i1 to i32
    %cond3A_123 = arith.constant 0 : i32
    %cond3A_124 = arith.cmpi ne, %convert_element_type3A_122, %cond3A_123 : i32
    scf.if %cond3A_124 {
      %sub3A_135 = arith.constant 1 : i32
      %sub3A_136 = arith.subi %min3A_4, %sub3A_135 : i32
      %sub3A_137 = arith.constant 1 : i32
      %sub3A_138 = arith.subi %sub3A_136, %sub3A_137 : i32
      %rem3A_139 = arith.constant 4 : i32
      %rem3A_140 = arith.remsi %sub3A_138, %rem3A_139 : i32
      %mul3A_141 = arith.constant 256 : i32
      %mul3A_142 = arith.muli %rem3A_140, %mul3A_141 : i32
      %multiple_of3A_143 = tpu.assume_multiple %mul3A_142, 256 : i32
      %dma_wait3A = tpu.memref_slice %arg9[%multiple_of3A_143] : memref<1024xf32, #tpu.memory_space<vmem>> -> memref<256xf32, #tpu.memory_space<vmem>>
      %dma_wait3A_144 = arith.constant 0 : i32
      %dma_wait3A_145 = tpu.memref_slice %arg5[%multiple_of3A, %dma_wait3A_144] : memref<10000x256xf32, #tpu.memory_space<hbm>> -> memref<1x256xf32, #tpu.memory_space<hbm>>
      %dma_wait3A_146 = tpu.memref_squeeze %dma_wait3A_145 : memref<1x256xf32, #tpu.memory_space<hbm>> -> memref<256xf32, #tpu.memory_space<hbm>>
      %dma_wait3A_147 = tpu.memref_slice %arg11[%rem3A_140] : memref<4x!tpu.dma_semaphore, #tpu.memory_space<semaphore_mem>> -> memref<1x!tpu.dma_semaphore, #tpu.memory_space<semaphore_mem>>
      %dma_wait3A_148 = tpu.memref_squeeze %dma_wait3A_147 : memref<1x!tpu.dma_semaphore, #tpu.memory_space<semaphore_mem>> -> memref<!tpu.dma_semaphore, #tpu.memory_space<semaphore_mem>>
      %dma_wait3A_149 = tpu.memref_slice %arg9[%multiple_of3A_143] : memref<1024xf32, #tpu.memory_space<vmem>> -> memref<256xf32, #tpu.memory_space<vmem>>
      %dma_wait3A_150 = arith.constant 0 : i32
      %dma_wait3A_151 = tpu.memref_slice %arg5[%multiple_of3A, %dma_wait3A_150] : memref<10000x256xf32, #tpu.memory_space<hbm>> -> memref<1x256xf32, #tpu.memory_space<hbm>>
      %dma_wait3A_152 = tpu.memref_squeeze %dma_wait3A_151 : memref<1x256xf32, #tpu.memory_space<hbm>> -> memref<256xf32, #tpu.memory_space<hbm>>
      tpu.wait_dma2 semaphore(%dma_wait3A_148 : memref<!tpu.dma_semaphore, #tpu.memory_space<semaphore_mem>>) src(%dma_wait3A_152 : memref<256xf32, #tpu.memory_space<hbm>>) dst(%dma_wait3A_149 : memref<256xf32, #tpu.memory_space<vmem>>)
    } else {
    }
    %gt3A_125 = arith.constant 2 : i32
    %gt3A_126 = arith.cmpi sgt, %min3A_4, %gt3A_125 : i32
    %convert_element_type3A_127 = arith.extui %gt3A_126 : i1 to i32
    %cond3A_128 = arith.constant 0 : i32
    %cond3A_129 = arith.cmpi ne, %convert_element_type3A_127, %cond3A_128 : i32
    scf.if %cond3A_129 {
      %sub3A_135 = arith.constant 1 : i32
      %sub3A_136 = arith.subi %min3A_4, %sub3A_135 : i32
      %sub3A_137 = arith.constant 2 : i32
      %sub3A_138 = arith.subi %sub3A_136, %sub3A_137 : i32
      %rem3A_139 = arith.constant 4 : i32
      %rem3A_140 = arith.remsi %sub3A_138, %rem3A_139 : i32
      %mul3A_141 = arith.constant 256 : i32
      %mul3A_142 = arith.muli %rem3A_140, %mul3A_141 : i32
      %multiple_of3A_143 = tpu.assume_multiple %mul3A_142, 256 : i32
      %dma_wait3A = tpu.memref_slice %arg9[%multiple_of3A_143] : memref<1024xf32, #tpu.memory_space<vmem>> -> memref<256xf32, #tpu.memory_space<vmem>>
      %dma_wait3A_144 = arith.constant 0 : i32
      %dma_wait3A_145 = tpu.memref_slice %arg5[%multiple_of3A, %dma_wait3A_144] : memref<10000x256xf32, #tpu.memory_space<hbm>> -> memref<1x256xf32, #tpu.memory_space<hbm>>
      %dma_wait3A_146 = tpu.memref_squeeze %dma_wait3A_145 : memref<1x256xf32, #tpu.memory_space<hbm>> -> memref<256xf32, #tpu.memory_space<hbm>>
      %dma_wait3A_147 = tpu.memref_slice %arg11[%rem3A_140] : memref<4x!tpu.dma_semaphore, #tpu.memory_space<semaphore_mem>> -> memref<1x!tpu.dma_semaphore, #tpu.memory_space<semaphore_mem>>
      %dma_wait3A_148 = tpu.memref_squeeze %dma_wait3A_147 : memref<1x!tpu.dma_semaphore, #tpu.memory_space<semaphore_mem>> -> memref<!tpu.dma_semaphore, #tpu.memory_space<semaphore_mem>>
      %dma_wait3A_149 = tpu.memref_slice %arg9[%multiple_of3A_143] : memref<1024xf32, #tpu.memory_space<vmem>> -> memref<256xf32, #tpu.memory_space<vmem>>
      %dma_wait3A_150 = arith.constant 0 : i32
      %dma_wait3A_151 = tpu.memref_slice %arg5[%multiple_of3A, %dma_wait3A_150] : memref<10000x256xf32, #tpu.memory_space<hbm>> -> memref<1x256xf32, #tpu.memory_space<hbm>>
      %dma_wait3A_152 = tpu.memref_squeeze %dma_wait3A_151 : memref<1x256xf32, #tpu.memory_space<hbm>> -> memref<256xf32, #tpu.memory_space<hbm>>
      tpu.wait_dma2 semaphore(%dma_wait3A_148 : memref<!tpu.dma_semaphore, #tpu.memory_space<semaphore_mem>>) src(%dma_wait3A_152 : memref<256xf32, #tpu.memory_space<hbm>>) dst(%dma_wait3A_149 : memref<256xf32, #tpu.memory_space<vmem>>)
    } else {
    }
    %gt3A_130 = arith.constant 3 : i32
    %gt3A_131 = arith.cmpi sgt, %min3A_4, %gt3A_130 : i32
    %convert_element_type3A_132 = arith.extui %gt3A_131 : i1 to i32
    %cond3A_133 = arith.constant 0 : i32
    %cond3A_134 = arith.cmpi ne, %convert_element_type3A_132, %cond3A_133 : i32
    scf.if %cond3A_134 {
      %sub3A_135 = arith.constant 1 : i32
      %sub3A_136 = arith.subi %min3A_4, %sub3A_135 : i32
      %sub3A_137 = arith.constant 3 : i32
      %sub3A_138 = arith.subi %sub3A_136, %sub3A_137 : i32
      %rem3A_139 = arith.constant 4 : i32
      %rem3A_140 = arith.remsi %sub3A_138, %rem3A_139 : i32
      %mul3A_141 = arith.constant 256 : i32
      %mul3A_142 = arith.muli %rem3A_140, %mul3A_141 : i32
      %multiple_of3A_143 = tpu.assume_multiple %mul3A_142, 256 : i32
      %dma_wait3A = tpu.memref_slice %arg9[%multiple_of3A_143] : memref<1024xf32, #tpu.memory_space<vmem>> -> memref<256xf32, #tpu.memory_space<vmem>>
      %dma_wait3A_144 = arith.constant 0 : i32
      %dma_wait3A_145 = tpu.memref_slice %arg5[%multiple_of3A, %dma_wait3A_144] : memref<10000x256xf32, #tpu.memory_space<hbm>> -> memref<1x256xf32, #tpu.memory_space<hbm>>
      %dma_wait3A_146 = tpu.memref_squeeze %dma_wait3A_145 : memref<1x256xf32, #tpu.memory_space<hbm>> -> memref<256xf32, #tpu.memory_space<hbm>>
      %dma_wait3A_147 = tpu.memref_slice %arg11[%rem3A_140] : memref<4x!tpu.dma_semaphore, #tpu.memory_space<semaphore_mem>> -> memref<1x!tpu.dma_semaphore, #tpu.memory_space<semaphore_mem>>
      %dma_wait3A_148 = tpu.memref_squeeze %dma_wait3A_147 : memref<1x!tpu.dma_semaphore, #tpu.memory_space<semaphore_mem>> -> memref<!tpu.dma_semaphore, #tpu.memory_space<semaphore_mem>>
      %dma_wait3A_149 = tpu.memref_slice %arg9[%multiple_of3A_143] : memref<1024xf32, #tpu.memory_space<vmem>> -> memref<256xf32, #tpu.memory_space<vmem>>
      %dma_wait3A_150 = arith.constant 0 : i32
      %dma_wait3A_151 = tpu.memref_slice %arg5[%multiple_of3A, %dma_wait3A_150] : memref<10000x256xf32, #tpu.memory_space<hbm>> -> memref<1x256xf32, #tpu.memory_space<hbm>>
      %dma_wait3A_152 = tpu.memref_squeeze %dma_wait3A_151 : memref<1x256xf32, #tpu.memory_space<hbm>> -> memref<256xf32, #tpu.memory_space<hbm>>
      tpu.wait_dma2 semaphore(%dma_wait3A_148 : memref<!tpu.dma_semaphore, #tpu.memory_space<semaphore_mem>>) src(%dma_wait3A_152 : memref<256xf32, #tpu.memory_space<hbm>>) dst(%dma_wait3A_149 : memref<256xf32, #tpu.memory_space<vmem>>)
    } else {
    }
    return
  }
}

</mosaic_0001>

<sc_bundles>
// kernel: kernel.3.cloned.1.call-start
scs
__scs_entry_jumppad:
0x0: {  	(pc) =	sbr.rel $0x88, $3  }
0x1: {  	(tag) =	ssettag $0x0;
	lr =	simm.s32 $0x1  }
0x2: {  	[smem:$0x3F9E] =	sst lr;
	_ =	strace $0xD0000000  }
0x3: {  	_ = 	snop  }
0x4: {  	_ = 	snop  }
0x5: {  	_ = 	snop  }
0x6: {  	_ = 	snop  }
0x7: {  	_ = 	snop  }
__scs_overlays_trampoline_lowered:
0x8: {  	[smem:$0x3FAD] =	sst s0  }
0x9: {  	[smem:$0x3FAE] =	sst s1  }
0xa: {  	[smem:$0x3FAF] =	sst s2  }
0xb: {  	[smem:$0x3FB0] =	sst s3  }
0xc: {  	[smem:$0x3FB1] =	sst s4  }
0xd: {  	[smem:$0x3FB2] =	sst s5  }
0xe: {  	[smem:$0x3FB3] =	sst s6  }
0xf: {  	[smem:$0x3FB4] =	sst s7  }
0x10: {  	[smem:$0x3FB5] =	sst s8  }
0x11: {  	[smem:$0x3FB6] =	sst s9;
	s0 =	simm.s32 @!p0 $0x0  }
0x12: {  	s1 =	sld [smem:$0x3F9C];
	s0 =	simm.s32 @p0 $0x1  }
0x13: {  	[smem:$0x3FB7] =	sst s0;
	s0 =	simm.s32 @!p1 $0x0  }
0x14: {  	s2 =	sld [smem:$0x3F9B];
	s0 =	simm.s32 @p1 $0x1  }
0x15: {  	[smem:$0x3FB8] =	sst s0;
	s0 =	simm.s32 @!p2 $0x0  }
0x16: {  	s3 =	sld [smem:$0x3FDB];
	s0 =	simm.s32 @p2 $0x1  }
0x17: {  	s4 =	simm.s32 $0x1BF5;
	[smem:$0x3FBA] =	sst s0  }
0x18: {  	s0 =	sld [smem:$0x3F9D];
	_ =	swait.ge [sflag:s4], $0x0  }
0x19: {  	s7 =	sld [smem:$0x3F9E]  }
0x1a: {  	s8 =	sadd.s32 $0xFFFFE003, lr  }
0x1b: {  	s9 =	sadd.s32 $0xFFFFFEF7, lr;
	s5 =	simm.s32 $0xFFFFFFFF;
	p2 =	slt.u32 s8, $0xFFFFF086  }
0x1c: {  	p1 =	slt.u32 s9, $0xF7A;
	s5 =	simm.s32 @!p2 $0x0  }
0x1d: {  	s5 =	simm.s32 @p1 $0x1;
	p0 =	seq.s32 s7, s2  }
0x1e: {  	s7 =	smul.u32 @!p0 $0xF7A, s2;
	p2 =	seq.s32 @!p0 s5, $0x0  }
0x1f: {  	s9 =	smul.u32 $0xF7A, s1;
	s8 =	simm.s32 @!p0 $0x1BF5;
	p2 =	por !p2, p0  }
0x20: {  	[sflag:s8] =	ssyncset.s32 @!p0 $0xFFFFF086;
	s6 =	sadd.s32 @!p0 s3, s7;
	s7 =	simm.s32 @!p0 $0x108  }
0x21: {  	s3 =	sadd.s32 s3, s9;
	s6 =	sadd.s32 @!p0 $0x88, s6;
	s7 =	simm.s32 @p2 $0x1082  }
0x22: {  	[simem:s7], [sflag:s8] =	dma.local @!p0 [hbm:s6], $0xF7A  }
0x23: {  	s9 =	sor.u32 $0xD0000000, s2;
	s6 =	simm.s32 $0x108;
	_ =	swait.ge @!p0 [sflag:s8], $0x0  }
0x24: {  	s3 =	sadd.s32 $0x88, s3;
	s6 =	simm.s32 @!p1 $0x1082;
	[sflag:s4] =	ssyncset.s32 $0xFFFFF086  }
0x25: {  	[simem:s6], [sflag:s4] =	dma.local [hbm:s3], $0xF7A  }
0x26: {  	[smem:$0x3F9E] =	sst s1;
	(tag) =	ssettag s2;
	_ =	strace s9  }
0x27: {  	s1 =	sld [smem:$0x3FAE]  }
0x28: {  	s2 =	sld [smem:$0x3FAF]  }
0x29: {  	s4 =	sld [smem:$0x3FB1]  }
0x2a: {  	p0 =	seq.s32 s5, $0x0;
	s5 =	sld [smem:$0x3FB2]  }
0x2b: {  	s6 =	sld [smem:$0x3FB3]  }
0x2c: {  	s7 =	sld [smem:$0x3FB4]  }
0x2d: {  	s3 =	simm.s32 $0x108;
	s8 =	sld [smem:$0x3FB5]  }
0x2e: {  	s3 =	simm.s32 @!p0 $0x1082;
	s9 =	sld [smem:$0x3FB6]  }
0x2f: {  	lr =	sadd.s32 s0, s3;
	s0 =	sld [smem:$0x3FAD]  }
0x30: {  	s3 =	sld [smem:$0x3FB0]  }
0x31: {  	[smem:$0x3FB9] =	sst s10  }
0x32: {  	s10 =	sld [smem:$0x3FB7];
	_ =	sdelay $0x3  }
0x33: {  	p0 =	seq.s32 s10, $0x1;
	s10 =	sld [smem:$0x3FB9];
	_ =	sdelay $0x3  }
0x34: {  	[smem:$0x3FB9] =	sst s10  }
0x35: {  	s10 =	sld [smem:$0x3FB8];
	_ =	sdelay $0x3  }
0x36: {  	p1 =	seq.s32 s10, $0x1;
	s10 =	sld [smem:$0x3FB9];
	_ =	sdelay $0x3  }
0x37: {  	[smem:$0x3FB9] =	sst s10  }
0x38: {  	s10 =	sld [smem:$0x3FBA]  }
0x39: {  	_ = 	snop;
	(pc) =	sbr.ind lr, $3  }
0x3a: {  	_ = 	snop  }
0x3b: {  	_ = 	snop  }
0x3c: {  	p2 =	seq.s32 s10, $0x1;
	s10 =	sld [smem:$0x3FB9]  }
0x3d: {  	_ =	shalt  }
0x3e: {  	_ =	shalt  }
0x3f: {  	_ =	shalt  }
0x40: {  	_ =	shalt  }
0x41: {  	_ =	shalt  }
0x42: {  	_ =	shalt  }
0x43: {  	_ =	shalt  }
0x44: {  	_ =	shalt  }
0x45: {  	_ =	shalt  }
0x46: {  	_ =	shalt  }
0x47: {  	_ =	shalt  }
0x48: {  	_ =	shalt  }
0x49: {  	_ =	shalt  }
0x4a: {  	_ =	shalt  }
0x4b: {  	_ =	shalt  }
0x4c: {  	_ =	shalt  }
0x4d: {  	_ =	shalt  }
0x4e: {  	_ =	shalt  }
0x4f: {  	_ =	shalt  }
0x50: {  	_ =	shalt  }
0x51: {  	_ =	shalt  }
0x52: {  	_ =	shalt  }
0x53: {  	_ =	shalt  }
0x54: {  	_ =	shalt  }
0x55: {  	_ =	shalt  }
0x56: {  	_ =	shalt  }
0x57: {  	_ =	shalt  }
0x58: {  	_ =	shalt  }
0x59: {  	_ =	shalt  }
0x5a: {  	_ =	shalt  }
0x5b: {  	_ =	shalt  }
0x5c: {  	_ =	shalt  }
0x5d: {  	_ =	shalt  }
0x5e: {  	_ =	shalt  }
0x5f: {  	_ =	shalt  }
0x60: {  	_ =	shalt  }
0x61: {  	_ =	shalt  }
0x62: {  	_ =	shalt  }
0x63: {  	_ =	shalt  }
0x64: {  	_ =	shalt  }
0x65: {  	_ =	shalt  }
0x66: {  	_ =	shalt  }
0x67: {  	_ =	shalt  }
0x68: {  	_ =	shalt  }
0x69: {  	_ =	shalt  }
0x6a: {  	_ =	shalt  }
0x6b: {  	_ =	shalt  }
0x6c: {  	_ =	shalt  }
0x6d: {  	_ =	shalt  }
0x6e: {  	_ =	shalt  }
0x6f: {  	_ =	shalt  }
0x70: {  	_ =	shalt  }
0x71: {  	_ =	shalt  }
0x72: {  	_ =	shalt  }
0x73: {  	_ =	shalt  }
0x74: {  	_ =	shalt  }
0x75: {  	_ =	shalt  }
0x76: {  	_ =	shalt  }
0x77: {  	_ =	shalt  }
0x78: {  	_ =	shalt  }
0x79: {  	_ =	shalt  }
0x7a: {  	_ =	shalt  }
0x7b: {  	_ =	shalt  }
0x7c: {  	_ =	shalt  }
0x7d: {  	_ =	shalt  }
0x7e: {  	_ =	shalt  }
0x7f: {  	_ =	shalt  }
0x80: {  	_ =	shalt  }
0x81: {  	_ =	shalt  }
0x82: {  	_ =	shalt  }
0x83: {  	_ =	shalt  }
0x84: {  	_ =	shalt  }
0x85: {  	_ =	shalt  }
0x86: {  	_ =	shalt  }
0x87: {  	_ =	shalt  }
.Lfunc_end0:
.L_simem_size_0:
called_computation_lowered:
.L_overlay_start_0:
0x88: {  	s2 =	sld [smem:$0x3FD9]  }
0x89: {  	s3 =	sld [smem:$0x3FFE];
	_ =	sdelay $0x1  }
0x8a: {  	s1 =	srdreg.scid  }
0x8b: {  	s0 =	sand.u32 $0x1, s1  }
0x8c: {  	s17 =	sshll.u32 s0, $0xA;
	s2 =	sadd.s32 s3, s2  }
0x8d: {  	s2 =	sadd.s32 s2, s17  }
0x8e: {  	[smem:$0x3FC5] =	sst s2  }
0x8f: {  	_ = 	snop  }
0x90: {  	s2 =	sld [smem:$0x3FC9]  }
0x91: {  	s18 =	sld [smem:$0x3FD0];
	(tm) =	ssettm $0x1  }
0x92: {  	s4 =	sld [smem:$0x3FFB];
	_ =	sdelay $0x3  }
0x93: {  	_ =	strace s4  }
0x94: {  	s4 =	sld [smem:$0x3FFC];
	_ =	sdelay $0x3  }
0x95: {  	_ =	strace s4  }
0x96: {  	s4 =	sld [smem:$0x3FFD];
	_ =	sdelay $0x3  }
0x97: {  	_ =	strace s4  }
0x98: {  	_ =	strace $0x8FFFFFFF  }
0x99: {  	s19 =	sld [smem:$0x3FDB];
	_ =	sdelay $0x1  }
0x9a: {  	s5 =	simm.s32 $_scs_section_size  }
0x9b: {  	s6 =	simm.s32 $_size__tile_overlayer_lowered;
	s7 =	simm.s32 $_tile_overlayer_lowered  }
0x9c: {  	s22 =	simm.s32 $0x1BFF;
	s21 =	sshll.u32 s7, $0x1;
	s4 =	sadd.s32 s5, s19  }
0x9d: {  	s8 =	simm.s32 $0x0;
	s20 =	sshll.u32 s6, $0x1;
	s6 =	sadd.s32 s21, s4  }
0x9e: {  	[timem:s8], [sflag:s22] =	dma.local [hbm:s6], s20  }
0x9f: {  	_ =	swait.ge [sflag:s22], s20  }
0xa0: {  	s5 =	ssub.s32 $0x0, s20;
	[sflag:s22] =	ssyncset.done $0x0  }
0xa1: {  	[sflag:s22] =	ssyncadd.s32 s5;
	_ =	sdelay $0x1  }
0xa2: {  	s23 =	simm.s32 $0x1B8B  }
0xa3: {  	_ =	swait.ge [sflag:s23], $0x1  }
0xa4: {  	[sflag:s23] =	ssyncset.done $0x0  }
0xa5: {  	s25 =	simm.s32 $0x1B8E;
	s24 =	sld [smem:$0x3FFE];
	[sflag:s23] =	ssyncadd.s32 $0xFFFFFFFF  }
0xa6: {  	s26 =	simm.s32 $execute0_lowered;
	[smem:$0x3FD2] =	sst s25  }
0xa7: {  	s6 =	sshll.u32 s26, $0x1;
	_ =	strace $0x80000046;
	[dreg:$0x1] =	wrdreg $0xFFFFFFFF  }
0xa8: {  	s28 =	simm.s32 $_size_execute0_lowered;
	s4 =	sadd.s32 s4, s6;
	[dreg:$0x0] =	wrdreg $0x0  }
0xa9: {  	s6 =	sshll.u32 s28, $0x1;
	[dreg:$0x2] =	wrdreg s4  }
0xaa: {  	[dreg:$0x3] =	wrdreg s6  }
0xab: {  	[dreg:$0x4] =	wrdreg $0xC0  }
0xac: {  	_ =	task [dreg:s8], $0x5FFFF  }
0xad: {  	[dreg:$0x1] =	wrdreg $0xFFFFFFFF  }
0xae: {  	[dreg:$0x0] =	wrdreg $0x60  }
0xaf: {  	[dreg:$0x2] =	wrdreg s2  }
0xb0: {  	[dreg:$0x3] =	wrdreg s24  }
0xb1: {  	[dreg:$0x4] =	wrdreg s18  }
0xb2: {  	[dreg:$0x5] =	wrdreg $0x9  }
0xb3: {  	_ =	task.clear_ibuf [dreg:s8], $0x6FFFF;
	_ =	strace $0x90000046  }
0xb4: {  	s29 =	simm.s32 $0x9;
	_ =	strace $0x80000048  }
0xb5: {  	_ =	swait.ge [sflag:s29], $0x1  }
0xb6: {  	[sflag:s29] =	ssyncadd.s32 $0xFFFFFFFF  }
0xb7: {  	_ =	strace $0x90000048  }
0xb8: {  	_ =	sfence  }
0xb9: {  	s30 =	sld [smem:$0x0];
	_ =	sdelay $0x2  }
0xba: {  	s31 =	sshll.u32 s1, $0xD;
	s1 =	sshrl.u32 s1, $0x2  }
0xbb: {  	s3 =	sand.u32 $0x4000, s31;
	s1 =	sadd.s32 s1, s30  }
0xbc: {  	s0 =	sor.u32 s3, s0;
	s1 =	sshll.u32 s1, $0x11  }
0xbd: {  	s0 =	sor.u32 s1, s0  }
0xbe: {  	s0 =	sadd.s32 $0x8F2B, s0  }
0xbf: {  	[sflag:s0] =	ssyncadd.remote.s32 $0x1  }
0xc0: {  	_ =	sfence.sel $0xFFFF  }
0xc1: {  	[dreg:$0x0] =	wrdreg $0xFFFFFFFF;
	(pc) =	sbr.abs _section_cstart, $3  }
0xc2: {  	[dreg:$0x1] =	wrdreg $0xFFFFFFFF  }
0xc3: {  	_ =	task.clear_ibuf [dreg:s8], $0x2FFFF;
	_ =	strace $0x9FFFFFFF  }
0xc4: {  	(tm) =	ssettm $0x7FFFFFFF  }
0xc5: {  	_ =	shalt  }
tec
execute0_lowered:
.L_overlay_start_1:
0x0: {  	(tag) =	ssettag $0x1  }
0x1: {  	s1 =	rddreg [dreg:$0x0]  }
0x2: {  	s0 =	rddreg [dreg:$0x1];
	s2 =	srdreg.scid  }
0x3: {  	s4 =	stileid.u32;
	s3 =	rddreg [dreg:$0x2];
	s10 =	simm.s32 $0xD  }
0x4: {  	s22 =	simm.s32 $0xB;
	s2 =	sand.u32 $0x1, s2;
	s5 =	sshll.u32 s4, $0x1  }
0x5: {  	s23 =	simm.s32 $0xA;
	s24 =	simm.s32 $0x9;
	s5 =	sor.u32 s2, s5  }
0x6: {  	s4 =	simm.s32 $0x0;
	s2 =	ssub.s32 $0x2, s2;
	s5 =	smul.u32 $0x140, s5  }
.Ltmp0:
0x7: {  	s6 =	sadd.s32 $0xA00, s0;
	s8 =	sshrl.u32 s2, $0x1;
	(pc) =	sbr.rel .LBB2_1-.Ltmp0, $4  }
0x8: {  	[smem:$0x7FF] =	sst s4;
	s2 =	ssub.s32 s2, s8;
	s7 =	sshrl.u32 s5, $0x3  }
0x9: {  	v2 =	vlaneseq.u32;
	_ =	strace $0x80000047;
	s31 =	smax.u32 s2, $0x1;
	s0 =	sadd.s32 s7, s0  }
0xa: {  	vm0 =	vmmov $0xffff;
	v1 =	vshrl.u32 v2, $0x3;
	s9 =	ssub.s32 $0x2710, s5;
	[dreg:$0x5] =	wrdreg s31;
	s0 =	sadd.s32 $0x400, s0  }
0xb: {  	s25 =	simm.s32 $0x0;
	v0 =	vand.u32 $0x7, v2;
	v2 =	vor.u32 $0x8, v2;
	v1 =	vmul.u32 $0x8, v1;
	s7 =	smin.u32 s9, $0x140;
	[dreg:$0x4] =	wrdreg s0  }
.LBB2_14:
0xc: {  	s0 =	simm.s32 $0xC  }
0xd: {  	_ =	swait.ge [sflag:s0], $0x100  }
0xe: {  	[sflag:s0] =	ssyncset.done $0x0  }
0xf: {  	[sflag:s0] =	ssyncadd.s32 $0xFFFFFF00  }
0x10: {  	_ =	swait.ge [sflag:s22], $0x100  }
0x11: {  	[sflag:s22] =	ssyncset.done $0x0  }
0x12: {  	[sflag:s22] =	ssyncadd.s32 $0xFFFFFF00  }
0x13: {  	_ =	swait.ge [sflag:s23], $0x100  }
0x14: {  	[sflag:s23] =	ssyncset.done $0x0  }
0x15: {  	[sflag:s23] =	ssyncadd.s32 $0xFFFFFF00  }
0x16: {  	_ =	swait.ge [sflag:s24], $0x100  }
0x17: {  	s25 =	sadd.s32 $0x1, s25;
	s31 =	rddreg [dreg:$0x5]  }
0x18: {  	p0 =	sne.s32 s25, s31  }
.Ltmp1:
0x19: {  	_ = 	snop;
	(pc) =	sbr.rel @!p0 .LBB2_15-.Ltmp1, $3  }
0x1a: {  	_ =	sdelay $0x1  }
0x1b: {  	[sflag:s24] =	ssyncset.done $0x0  }
0x1c: {  	[sflag:s24] =	ssyncadd.s32 $0xFFFFFF00  }
.LBB2_1:
0x1d: {  	s0 =	rddreg [dreg:$0x4]  }
0x1e: {  	[tilespmem:s4], [sflag:$0xD] =	stream.linear.gather [hbm4b:s0+s4], $0x158, $0x38;
	[tilespmem:$0x10D80] =	vst v63  }
0x1f: {  	_ =	swait.ge [sflag:s10], $0x158  }
0x20: {  	[sflag:s10] =	ssyncset.done $0x0  }
0x21: {  	[sflag:s10] =	ssyncadd.s32 $0xFFFFFEA8  }
0x22: {  	v3 =	vld [tilespmem:$0x0];
	_ =	sdelay $0x4  }
0x23: {  	(v2sf) =	vpush v3, $0x0;
	_ =	sdelay $0x1  }
0x24: {  	v3 =	vld [tilespmem:s7+$0x0];
	_ =	sdelay $0x4  }
0x25: {  	(v2sf) =	vpush v3, $0x0;
	_ =	sdelay $0x7  }
0x26: {  	s18 =	spop (v2sf)  }
0x27: {  	s28 =	sand.u32 $0x7, s18  }
0x28: {  	s2 =	sshra.s32 s18, $0x1F;
	p0 =	slt.s32 s18, $0x1;
	p1 =	sne.s32 s28, $0x0  }
0x29: {  	s29 =	sshrl.u32 s2, $0x1D;
	p0 =	por !p0, !p1  }
0x2a: {  	s2 =	simm.s32 $0x1;
	s0 =	sadd.s32 s29, s18;
	p0 =	por !p0, !p0  }
0x2b: {  	s0 =	sshra.s32 s0, $0x3;
	s2 =	simm.s32 @!p0 $0x0  }
0x2c: {  	s0 =	ssub.s32 s0, s2  }
0x2d: {  	s12 =	spop (v2sf);
	s2 =	sshll.u32 s0, $0x3  }
0x2e: {  	s8 =	ssub.s32 s12, s2  }
0x2f: {  	s8 =	sadd.s32 $0x1F, s8  }
0x30: {  	s11 =	sand.u32 $0x1F, s8  }
0x31: {  	s31 =	sshra.s32 s8, $0x1F;
	p6 =	slt.s32 s8, $0x1;
	p5 =	sne.s32 s11, $0x0  }
0x32: {  	s11 =	sshrl.u32 s31, $0x1B;
	p0 =	por !p6, !p5  }
0x33: {  	s8 =	sadd.s32 s11, s8;
	s11 =	simm.s32 $0x1;
	p0 =	por !p0, !p0  }
0x34: {  	s8 =	sshra.s32 s8, $0x5;
	s11 =	simm.s32 @!p0 $0x0  }
0x35: {  	s30 =	ssub.s32 s8, s11  }
0x36: {  	p0 =	slt.s32 s30, $0x1  }
.Ltmp2:
0x37: {  	_ = 	snop;
	(pc) =	sbr.rel @p0 .LBB2_5-.Ltmp2, $1  }
0x38: {  	_ =	sdelay $0x3  }
0x39: {  	s0 =	sand.u32 $0x1FFFFFFF, s0  }
0x3a: {  	s8 =	simm.s32 $0x180;
	s0 =	sadd.s32 s6, s0  }
0x3b: {  	[tilespmem:s8], [sflag:$0xD] =	stream.linear.gather [hbm4b:s0+s4], $0x800, $0x38;
	[tilespmem:$0x10D80] =	vst v63  }
0x3c: {  	_ =	swait.ge [sflag:s10], $0x800  }
0x3d: {  	[sflag:s10] =	ssyncset.done $0x0  }
0x3e: {  	[sflag:s10] =	ssyncadd.s32 $0xFFFFF800  }
0x3f: {  	v3 =	vld [tilespmem:$0x180];
	_ =	sdelay $0x4  }
0x40: {  	v4 =	vshll.u32 v3, $0x1  }
0x41: {  	v3 =	vand.u32 $0x7, v3;
	v4 =	vand.u32 $0xFFFFFFF0, v4  }
0x42: {  	v3 =	vor.u32 v3, v4  }
0x43: {  	v4 =	vperm.xlane v3, v0;
	_ =	sdelay $0x1  }
0x44: {  	v3 =	vperm.xlane v3, v2;
	v4 =	vadd.s32 v1, v4;
	_ =	sdelay $0x1  }
0x45: {  	v3 =	vadd.s32 v1, v3;
	_ =	sdelay $0x1  }
0x46: {  	s26 =	simm.s32 $0x980  }
0x47: {  	[tilespmem:s26], [sflag:$0x1] =	stream.indirect_vreg.gather [hbm4b:s1+s4], $0x80, v4, vm0, $0xb8;
	[tilespmem:$0x10D80] =	vst v63  }
0x48: {  	s28 =	simm.s32 $0x1180  }
0x49: {  	[tilespmem:s28], [sflag:$0x1] =	stream.indirect_vreg.gather [hbm4b:s1+s4], $0x80, v3, vm0, $0xb8;
	[tilespmem:$0x10D80] =	vst v63  }
0x4a: {  	v3 =	vld [tilespmem:$0x190];
	_ =	sdelay $0x4  }
0x4b: {  	v63 =	vshll.u32 v3, $0x1  }
0x4c: {  	v3 =	vand.u32 $0x7, v3;
	v4 =	vand.u32 $0xFFFFFFF0, v63  }
0x4d: {  	v3 =	vor.u32 v3, v4  }
0x4e: {  	v4 =	vperm.xlane v3, v0;
	_ =	sdelay $0x1  }
0x4f: {  	v3 =	vperm.xlane v3, v2;
	v4 =	vadd.s32 v1, v4;
	_ =	sdelay $0x1  }
0x50: {  	v3 =	vadd.s32 v1, v3;
	_ =	sdelay $0x1  }
0x51: {  	s29 =	simm.s32 $0x1980  }
0x52: {  	[tilespmem:s29], [sflag:$0x1] =	stream.indirect_vreg.gather [hbm4b:s1+s4], $0x80, v4, vm0, $0xb8;
	[tilespmem:$0x10D80] =	vst v63  }
0x53: {  	s31 =	simm.s32 $0x2180;
	p0 =	seq.s32 s30, $0x1  }
0x54: {  	[tilespmem:s31], [sflag:$0x1] =	stream.indirect_vreg.gather [hbm4b:s1+s4], $0x80, v3, vm0, $0xb8;
	[tilespmem:$0x10D80] =	vst v63  }
0x55: {  	v3 =	vld @!p0 [tilespmem:$0x1A0];
	_ =	sdelay $0x4  }
0x56: {  	v4 =	vshll.u32 @!p0 v3, $0x1  }
0x57: {  	v5 =	vlaneseq.u32 @!p0;
	v3 =	vand.u32 @!p0 $0x7, v3;
	v4 =	vand.u32 @!p0 $0xFFFFFFF0, v4  }
0x58: {  	v6 =	vshrl.u32 @!p0 v5, $0x3;
	v3 =	vor.u32 @!p0 v3, v4;
	v4 =	vand.u32 @!p0 $0x7, v5  }
0x59: {  	v6 =	vmul.u32 @!p0 $0x8, v6;
	v7 =	vperm.xlane @!p0 v3, v4  }
0x5a: {  	v5 =	vor.u32 @!p0 $0x8, v5  }
0x5b: {  	v3 =	vperm.xlane @!p0 v3, v5;
	v7 =	vadd.s32 @!p0 v6, v7;
	_ =	sdelay $0x1  }
0x5c: {  	v3 =	vadd.s32 @!p0 v6, v3;
	_ =	sdelay $0x1  }
0x5d: {  	vm1 =	vmmov @!p0 $0xffff;
	s0 =	simm.s32 @!p0 $0x0;
	s8 =	simm.s32 @!p0 $0x2980  }
0x5e: {  	[tilespmem:s8], [sflag:$0x2] =	stream.indirect_vreg.gather @!p0 [hbm4b:s1+s0], $0x80, v7, vm1, $0xb8;
	[tilespmem:$0x10D80] =	vst v63  }
0x5f: {  	s8 =	simm.s32 @!p0 $0x3180  }
0x60: {  	[tilespmem:s8], [sflag:$0x2] =	stream.indirect_vreg.gather @!p0 [hbm4b:s1+s0], $0x80, v3, vm1, $0xb8;
	[tilespmem:$0x10D80] =	vst v63  }
0x61: {  	v3 =	vld @!p0 [tilespmem:$0x1B0];
	_ =	sdelay $0x4  }
0x62: {  	v7 =	vshll.u32 @!p0 v3, $0x1  }
0x63: {  	v3 =	vand.u32 @!p0 $0x7, v3;
	v7 =	vand.u32 @!p0 $0xFFFFFFF0, v7  }
0x64: {  	v3 =	vor.u32 @!p0 v3, v7  }
0x65: {  	v4 =	vperm.xlane @!p0 v3, v4;
	_ =	sdelay $0x1  }
0x66: {  	v3 =	vperm.xlane @!p0 v3, v5;
	v4 =	vadd.s32 @!p0 v6, v4;
	_ =	sdelay $0x1  }
0x67: {  	v3 =	vadd.s32 @!p0 v6, v3;
	_ =	sdelay $0x1  }
0x68: {  	s8 =	simm.s32 @!p0 $0x3980  }
0x69: {  	[tilespmem:s8], [sflag:$0x2] =	stream.indirect_vreg.gather @!p0 [hbm4b:s1+s0], $0x80, v4, vm1, $0xb8;
	[tilespmem:$0x10D80] =	vst v63  }
0x6a: {  	p1 =	slt.u32 @!p0 s30, $0x3;
	s8 =	simm.s32 @!p0 $0x4180  }
0x6b: {  	[tilespmem:s8], [sflag:$0x2] =	stream.indirect_vreg.gather @!p0 [hbm4b:s1+s0], $0x80, v3, vm1, $0xb8;
	[tilespmem:$0x10D80] =	vst v63  }
0x6c: {  	p0 =	por p0, p1  }
0x6d: {  	v3 =	vld @!p0 [tilespmem:$0x1C0];
	_ =	sdelay $0x4  }
0x6e: {  	v4 =	vshll.u32 @!p0 v3, $0x1  }
0x6f: {  	v5 =	vlaneseq.u32 @!p0;
	v3 =	vand.u32 @!p0 $0x7, v3;
	v4 =	vand.u32 @!p0 $0xFFFFFFF0, v4  }
0x70: {  	v6 =	vshrl.u32 @!p0 v5, $0x3;
	v3 =	vor.u32 @!p0 v3, v4;
	v4 =	vand.u32 @!p0 $0x7, v5  }
0x71: {  	v6 =	vmul.u32 @!p0 $0x8, v6;
	v7 =	vperm.xlane @!p0 v3, v4  }
0x72: {  	v5 =	vor.u32 @!p0 $0x8, v5  }
0x73: {  	v3 =	vperm.xlane @!p0 v3, v5;
	v7 =	vadd.s32 @!p0 v6, v7;
	_ =	sdelay $0x1  }
0x74: {  	v3 =	vadd.s32 @!p0 v6, v3;
	_ =	sdelay $0x1  }
0x75: {  	vm1 =	vmmov @!p0 $0xffff;
	s0 =	simm.s32 @!p0 $0x0;
	s8 =	simm.s32 @!p0 $0x4980  }
0x76: {  	[tilespmem:s8], [sflag:$0x3] =	stream.indirect_vreg.gather @!p0 [hbm4b:s1+s0], $0x80, v7, vm1, $0xb8;
	[tilespmem:$0x10D80] =	vst v63  }
0x77: {  	s8 =	simm.s32 @!p0 $0x5180  }
0x78: {  	[tilespmem:s8], [sflag:$0x3] =	stream.indirect_vreg.gather @!p0 [hbm4b:s1+s0], $0x80, v3, vm1, $0xb8;
	[tilespmem:$0x10D80] =	vst v63  }
0x79: {  	v3 =	vld @!p0 [tilespmem:$0x1D0];
	_ =	sdelay $0x4  }
0x7a: {  	v7 =	vshll.u32 @!p0 v3, $0x1  }
0x7b: {  	v3 =	vand.u32 @!p0 $0x7, v3;
	v7 =	vand.u32 @!p0 $0xFFFFFFF0, v7  }
0x7c: {  	v3 =	vor.u32 @!p0 v3, v7  }
0x7d: {  	v4 =	vperm.xlane @!p0 v3, v4;
	_ =	sdelay $0x1  }
0x7e: {  	v3 =	vperm.xlane @!p0 v3, v5;
	v4 =	vadd.s32 @!p0 v6, v4;
	_ =	sdelay $0x1  }
0x7f: {  	v3 =	vadd.s32 @!p0 v6, v3;
	_ =	sdelay $0x1  }
0x80: {  	s8 =	simm.s32 @!p0 $0x5980  }
0x81: {  	[tilespmem:s8], [sflag:$0x3] =	stream.indirect_vreg.gather @!p0 [hbm4b:s1+s0], $0x80, v4, vm1, $0xb8;
	[tilespmem:$0x10D80] =	vst v63  }
0x82: {  	p1 =	seq.s32 @!p0 s30, $0x3;
	s8 =	simm.s32 @!p0 $0x6180  }
0x83: {  	[tilespmem:s8], [sflag:$0x3] =	stream.indirect_vreg.gather @!p0 [hbm4b:s1+s0], $0x80, v3, vm1, $0xb8;
	[tilespmem:$0x10D80] =	vst v63  }
0x84: {  	p0 =	por p0, p1  }
0x85: {  	v3 =	vld @!p0 [tilespmem:$0x1E0];
	_ =	sdelay $0x4  }
0x86: {  	v4 =	vshll.u32 @!p0 v3, $0x1  }
0x87: {  	v5 =	vlaneseq.u32 @!p0;
	v3 =	vand.u32 @!p0 $0x7, v3;
	v4 =	vand.u32 @!p0 $0xFFFFFFF0, v4  }
0x88: {  	v6 =	vshrl.u32 @!p0 v5, $0x3;
	v3 =	vor.u32 @!p0 v3, v4;
	v4 =	vand.u32 @!p0 $0x7, v5  }
0x89: {  	v6 =	vmul.u32 @!p0 $0x8, v6;
	v7 =	vperm.xlane @!p0 v3, v4  }
0x8a: {  	v5 =	vor.u32 @!p0 $0x8, v5  }
0x8b: {  	v3 =	vperm.xlane @!p0 v3, v5;
	v7 =	vadd.s32 @!p0 v6, v7;
	_ =	sdelay $0x1  }
0x8c: {  	v3 =	vadd.s32 @!p0 v6, v3;
	_ =	sdelay $0x1  }
0x8d: {  	vm1 =	vmmov @!p0 $0xffff;
	s0 =	simm.s32 @!p0 $0x0;
	s8 =	simm.s32 @!p0 $0x6980  }
0x8e: {  	[tilespmem:s8], [sflag:$0x4] =	stream.indirect_vreg.gather @!p0 [hbm4b:s1+s0], $0x80, v7, vm1, $0xb8;
	[tilespmem:$0x10D80] =	vst v63  }
0x8f: {  	s8 =	simm.s32 @!p0 $0x7180  }
0x90: {  	[tilespmem:s8], [sflag:$0x4] =	stream.indirect_vreg.gather @!p0 [hbm4b:s1+s0], $0x80, v3, vm1, $0xb8;
	[tilespmem:$0x10D80] =	vst v63  }
0x91: {  	v3 =	vld @!p0 [tilespmem:$0x1F0];
	_ =	sdelay $0x4  }
0x92: {  	v7 =	vshll.u32 @!p0 v3, $0x1  }
0x93: {  	v3 =	vand.u32 @!p0 $0x7, v3;
	v7 =	vand.u32 @!p0 $0xFFFFFFF0, v7  }
0x94: {  	v3 =	vor.u32 @!p0 v3, v7  }
0x95: {  	v4 =	vperm.xlane @!p0 v3, v4;
	_ =	sdelay $0x1  }
0x96: {  	v3 =	vperm.xlane @!p0 v3, v5;
	v4 =	vadd.s32 @!p0 v6, v4;
	_ =	sdelay $0x1  }
0x97: {  	v3 =	vadd.s32 @!p0 v6, v3;
	_ =	sdelay $0x1  }
0x98: {  	s8 =	simm.s32 @!p0 $0x7980  }
0x99: {  	[tilespmem:s8], [sflag:$0x4] =	stream.indirect_vreg.gather @!p0 [hbm4b:s1+s0], $0x80, v4, vm1, $0xb8;
	[tilespmem:$0x10D80] =	vst v63  }
0x9a: {  	p1 =	slt.u32 @!p0 s30, $0x5;
	s8 =	simm.s32 @!p0 $0x8180  }
0x9b: {  	[tilespmem:s8], [sflag:$0x4] =	stream.indirect_vreg.gather @!p0 [hbm4b:s1+s0], $0x80, v3, vm1, $0xb8;
	[tilespmem:$0x10D80] =	vst v63  }
0x9c: {  	p0 =	por p0, p1  }
0x9d: {  	v3 =	vld @!p0 [tilespmem:$0x200];
	_ =	sdelay $0x4  }
0x9e: {  	v4 =	vshll.u32 @!p0 v3, $0x1  }
0x9f: {  	v5 =	vlaneseq.u32 @!p0;
	v3 =	vand.u32 @!p0 $0x7, v3;
	v4 =	vand.u32 @!p0 $0xFFFFFFF0, v4  }
0xa0: {  	v6 =	vshrl.u32 @!p0 v5, $0x3;
	v3 =	vor.u32 @!p0 v3, v4;
	v4 =	vand.u32 @!p0 $0x7, v5  }
0xa1: {  	v6 =	vmul.u32 @!p0 $0x8, v6;
	v7 =	vperm.xlane @!p0 v3, v4  }
0xa2: {  	v5 =	vor.u32 @!p0 $0x8, v5  }
0xa3: {  	v3 =	vperm.xlane @!p0 v3, v5;
	v7 =	vadd.s32 @!p0 v6, v7;
	_ =	sdelay $0x1  }
0xa4: {  	v3 =	vadd.s32 @!p0 v6, v3;
	_ =	sdelay $0x1  }
0xa5: {  	vm1 =	vmmov @!p0 $0xffff;
	s0 =	simm.s32 @!p0 $0x0;
	s8 =	simm.s32 @!p0 $0x8980  }
0xa6: {  	[tilespmem:s8], [sflag:$0x5] =	stream.indirect_vreg.gather @!p0 [hbm4b:s1+s0], $0x80, v7, vm1, $0xb8;
	[tilespmem:$0x10D80] =	vst v63  }
0xa7: {  	s8 =	simm.s32 @!p0 $0x9180  }
0xa8: {  	[tilespmem:s8], [sflag:$0x5] =	stream.indirect_vreg.gather @!p0 [hbm4b:s1+s0], $0x80, v3, vm1, $0xb8;
	[tilespmem:$0x10D80] =	vst v63  }
0xa9: {  	v3 =	vld @!p0 [tilespmem:$0x210];
	_ =	sdelay $0x4  }
0xaa: {  	v7 =	vshll.u32 @!p0 v3, $0x1  }
0xab: {  	v3 =	vand.u32 @!p0 $0x7, v3;
	v7 =	vand.u32 @!p0 $0xFFFFFFF0, v7  }
0xac: {  	v3 =	vor.u32 @!p0 v3, v7  }
0xad: {  	v4 =	vperm.xlane @!p0 v3, v4;
	_ =	sdelay $0x1  }
0xae: {  	v3 =	vperm.xlane @!p0 v3, v5;
	v4 =	vadd.s32 @!p0 v6, v4;
	_ =	sdelay $0x1  }
0xaf: {  	v3 =	vadd.s32 @!p0 v6, v3;
	_ =	sdelay $0x1  }
0xb0: {  	s8 =	simm.s32 @!p0 $0x9980  }
0xb1: {  	[tilespmem:s8], [sflag:$0x5] =	stream.indirect_vreg.gather @!p0 [hbm4b:s1+s0], $0x80, v4, vm1, $0xb8;
	[tilespmem:$0x10D80] =	vst v63  }
0xb2: {  	p1 =	seq.s32 @!p0 s30, $0x5;
	s8 =	simm.s32 @!p0 $0xA180  }
0xb3: {  	[tilespmem:s8], [sflag:$0x5] =	stream.indirect_vreg.gather @!p0 [hbm4b:s1+s0], $0x80, v3, vm1, $0xb8;
	[tilespmem:$0x10D80] =	vst v63  }
0xb4: {  	p0 =	por p0, p1  }
.Ltmp3:
0xb5: {  	_ = 	snop;
	(pc) =	sbr.rel @p0 .LBB2_4-.Ltmp3, $1  }
0xb6: {  	_ =	sdelay $0x3  }
0xb7: {  	v3 =	vld [tilespmem:$0x220];
	_ =	sdelay $0x4  }
0xb8: {  	v4 =	vshll.u32 v3, $0x1  }
0xb9: {  	v3 =	vand.u32 $0x7, v3;
	v4 =	vand.u32 $0xFFFFFFF0, v4  }
0xba: {  	v3 =	vor.u32 v3, v4  }
0xbb: {  	v4 =	vperm.xlane v3, v0;
	_ =	sdelay $0x1  }
0xbc: {  	v3 =	vperm.xlane v3, v2;
	v4 =	vadd.s32 v1, v4;
	_ =	sdelay $0x1  }
0xbd: {  	v3 =	vadd.s32 v1, v3;
	_ =	sdelay $0x1  }
0xbe: {  	s0 =	simm.s32 $0xA980  }
0xbf: {  	[tilespmem:s0], [sflag:$0x6] =	stream.indirect_vreg.gather [hbm4b:s1+s4], $0x80, v4, vm0, $0xb8;
	[tilespmem:$0x10D80] =	vst v63  }
0xc0: {  	s28 =	simm.s32 $0xB180  }
0xc1: {  	[tilespmem:s28], [sflag:$0x6] =	stream.indirect_vreg.gather [hbm4b:s1+s4], $0x80, v3, vm0, $0xb8;
	[tilespmem:$0x10D80] =	vst v63  }
0xc2: {  	v3 =	vld [tilespmem:$0x230];
	_ =	sdelay $0x4  }
0xc3: {  	v63 =	vshll.u32 v3, $0x1  }
0xc4: {  	v3 =	vand.u32 $0x7, v3;
	v4 =	vand.u32 $0xFFFFFFF0, v63  }
0xc5: {  	v3 =	vor.u32 v3, v4  }
0xc6: {  	v4 =	vperm.xlane v3, v0;
	_ =	sdelay $0x1  }
0xc7: {  	v3 =	vperm.xlane v3, v2;
	v4 =	vadd.s32 v1, v4;
	_ =	sdelay $0x1  }
0xc8: {  	v3 =	vadd.s32 v1, v3;
	_ =	sdelay $0x1  }
0xc9: {  	s29 =	simm.s32 $0xB980  }
0xca: {  	[tilespmem:s29], [sflag:$0x6] =	stream.indirect_vreg.gather [hbm4b:s1+s4], $0x80, v4, vm0, $0xb8;
	[tilespmem:$0x10D80] =	vst v63  }
0xcb: {  	s31 =	simm.s32 $0xC180;
	p0 =	slt.u32 s30, $0x7  }
0xcc: {  	[tilespmem:s31], [sflag:$0x6] =	stream.indirect_vreg.gather [hbm4b:s1+s4], $0x80, v3, vm0, $0xb8;
	[tilespmem:$0x10D80] =	vst v63  }
0xcd: {  	v3 =	vld @!p0 [tilespmem:$0x240];
	_ =	sdelay $0x4  }
0xce: {  	v4 =	vshll.u32 @!p0 v3, $0x1  }
0xcf: {  	v5 =	vlaneseq.u32 @!p0;
	v3 =	vand.u32 @!p0 $0x7, v3;
	v4 =	vand.u32 @!p0 $0xFFFFFFF0, v4  }
0xd0: {  	v6 =	vshrl.u32 @!p0 v5, $0x3;
	v3 =	vor.u32 @!p0 v3, v4;
	v4 =	vand.u32 @!p0 $0x7, v5  }
0xd1: {  	v6 =	vmul.u32 @!p0 $0x8, v6;
	v7 =	vperm.xlane @!p0 v3, v4  }
0xd2: {  	v5 =	vor.u32 @!p0 $0x8, v5  }
0xd3: {  	v3 =	vperm.xlane @!p0 v3, v5;
	v7 =	vadd.s32 @!p0 v6, v7;
	_ =	sdelay $0x1  }
0xd4: {  	v3 =	vadd.s32 @!p0 v6, v3;
	_ =	sdelay $0x1  }
0xd5: {  	vm1 =	vmmov @!p0 $0xffff;
	s8 =	simm.s32 @!p0 $0xC980;
	s0 =	simm.s32 @!p0 $0x0  }
0xd6: {  	[tilespmem:s8], [sflag:$0x7] =	stream.indirect_vreg.gather @!p0 [hbm4b:s1+s0], $0x80, v7, vm1, $0xb8;
	[tilespmem:$0x10D80] =	vst v63  }
0xd7: {  	s8 =	simm.s32 @!p0 $0xD180  }
0xd8: {  	[tilespmem:s8], [sflag:$0x7] =	stream.indirect_vreg.gather @!p0 [hbm4b:s1+s0], $0x80, v3, vm1, $0xb8;
	[tilespmem:$0x10D80] =	vst v63  }
0xd9: {  	v3 =	vld @!p0 [tilespmem:$0x250];
	_ =	sdelay $0x4  }
0xda: {  	v7 =	vshll.u32 @!p0 v3, $0x1  }
0xdb: {  	v3 =	vand.u32 @!p0 $0x7, v3;
	v7 =	vand.u32 @!p0 $0xFFFFFFF0, v7  }
0xdc: {  	v3 =	vor.u32 @!p0 v3, v7  }
0xdd: {  	v4 =	vperm.xlane @!p0 v3, v4;
	_ =	sdelay $0x1  }
0xde: {  	v3 =	vperm.xlane @!p0 v3, v5;
	v4 =	vadd.s32 @!p0 v6, v4;
	_ =	sdelay $0x1  }
0xdf: {  	v3 =	vadd.s32 @!p0 v6, v3;
	_ =	sdelay $0x1  }
0xe0: {  	s8 =	simm.s32 @!p0 $0xD980  }
0xe1: {  	[tilespmem:s8], [sflag:$0x7] =	stream.indirect_vreg.gather @!p0 [hbm4b:s1+s0], $0x80, v4, vm1, $0xb8;
	[tilespmem:$0x10D80] =	vst v63  }
0xe2: {  	s8 =	simm.s32 @!p0 $0xE180  }
0xe3: {  	[tilespmem:s8], [sflag:$0x7] =	stream.indirect_vreg.gather @!p0 [hbm4b:s1+s0], $0x80, v3, vm1, $0xb8;
	[tilespmem:$0x10D80] =	vst v63  }
.LBB2_4:
0xe4: {  	s0 =	simm.s32 $0x1  }
0xe5: {  	_ =	swait.ge [sflag:s0], $0x2000  }
0xe6: {  	[sflag:s0] =	ssyncset.done $0x0  }
0xe7: {  	[sflag:s0] =	ssyncadd.s32 $0xFFFFE000  }
.LBB2_5:
0xe8: {  	s31 =	sadd.s32 s7, s30  }
0xe9: {  	p0 =	slt.s32 s31, $0x1  }
.Ltmp4:
0xea: {  	_ = 	snop;
	(pc) =	sbr.rel @p0 .LBB2_14-.Ltmp4, $1  }
0xeb: {  	_ =	sdelay $0x3  }
0xec: {  	v3 =	vld [tilespmem:$0x1];
	_ =	sdelay $0x4  }
0xed: {  	(v2sf) =	vpush v3, $0x0;
	_ =	sdelay $0x9  }
0xee: {  	v4 =	vimm.f32 $0.0e+00  }
.Ltmp5:
0xef: {  	v5 =	vimm.f32 $0.0e+00;
	v6 =	vimm.f32 $0.0e+00;
	v7 =	vimm.f32 $0.0e+00;
	(pc) =	sbr.rel .LBB2_7-.Ltmp5, $4  }
0xf0: {  	v8 =	vimm.f32 $0.0e+00;
	v9 =	vimm.f32 $0.0e+00;
	v10 =	vimm.f32 $0.0e+00  }
0xf1: {  	v11 =	vimm.f32 $0.0e+00;
	v12 =	vimm.f32 $0.0e+00;
	v13 =	vimm.f32 $0.0e+00  }
0xf2: {  	v14 =	vimm.f32 $0.0e+00;
	v15 =	vimm.f32 $0.0e+00;
	s20 =	simm.s32 $0x0;
	v16 =	vimm.f32 $0.0e+00;
	s29 =	smov.u32 s2;
	s17 =	simm.s32 $0x0  }
0xf3: {  	v17 =	vimm.f32 $0.0e+00;
	v18 =	vimm.f32 $0.0e+00;
	s26 =	smov.u32 s18;
	s19 =	simm.s32 $0x0;
	v3 =	vimm.f32 $0.0e+00;
	s0 =	spop (v2sf)  }
.LBB2_13:
0xf4: {  	p1 =	por !p0, !p0;
	s8 =	simm.s32 $0x1  }
0xf5: {  	s8 =	simm.s32 @!p1 $0x0  }
0xf6: {  	s17 =	sadd.s32 s8, s17  }
0xf7: {  	v19 =	vld [tilespmem:s17+$0x1];
	_ =	sdelay $0x4  }
0xf8: {  	(v2sf) =	vpush v19, $0x0;
	_ =	sdelay $0xa  }
0xf9: {  	s19 =	sadd.s32 $0x1, s19  }
0xfa: {  	v18 =	vpsel !p0, $0x0, v18;
	p1 =	slt.s32 s19, s31  }
.Ltmp6:
0xfb: {  	v17 =	vpsel !p0, $0x0, v17;
	v16 =	vpsel !p0, $0x0, v16;
	v15 =	vpsel !p0, $0x0, v15;
	(pc) =	sbr.rel @!p1 .LBB2_14-.Ltmp6, $4  }
0xfc: {  	v14 =	vpsel !p0, $0x0, v14;
	v13 =	vpsel !p0, $0x0, v13;
	v11 =	vpsel !p0, $0x0, v11  }
0xfd: {  	s9 =	smov.u32 s0;
	v10 =	vpsel !p0, $0x0, v10;
	v9 =	vpsel !p0, $0x0, v9;
	v8 =	vpsel !p0, $0x0, v8;
	s8 =	spop (v2sf)  }
0xfe: {  	v7 =	vpsel !p0, $0x0, v7;
	v6 =	vpsel !p0, $0x0, v6;
	v5 =	vpsel !p0, $0x0, v5;
	s9 =	smov.u32 @p0 s18;
	s8 =	smov.u32 @p0 s0  }
0xff: {  	v4 =	vpsel !p0, $0x0, v4;
	v3 =	vpsel !p0, $0x0, v3;
	v12 =	vpsel !p0, $0x0, v12;
	s18 =	smov.u32 s9;
	s0 =	smov.u32 s8  }
.LBB2_7:
0x100: {  	s8 =	sshll.u32 s20, $0x5  }
0x101: {  	s8 =	sadd.s32 s2, s8  }
0x102: {  	s11 =	sadd.s32 $0x20, s8  }
0x103: {  	s28 =	smov.u32 s12;
	p0 =	slt.s32 s11, s12  }
0x104: {  	s28 =	smov.u32 @p0 s11  }
0x105: {  	p0 =	slt.s32 s0, s28;
	s11 =	smov.u32 s28  }
0x106: {  	s11 =	smov.u32 @p0 s0  }
0x107: {  	s13 =	ssub.s32 s11, s26  }
0x108: {  	p0 =	sgt.s32 s13, $0x0  }
0x109: {  	s8 =	ssub.s32 s26, s8;
	s13 =	simm.s32 @!p0 $0x0  }
0x10a: {  	s21 =	sadd.s32 s8, s13  }
0x10b: {  	p0 =	sge.s32 s8, s21  }
.Ltmp7:
0x10c: {  	_ = 	snop;
	(pc) =	sbr.rel @p0 .LBB2_11-.Ltmp7, $1  }
0x10d: {  	_ =	sdelay $0x3  }
0x10e: {  	s11 =	sshra.s32 s20, $0x1F  }
0x10f: {  	s11 =	sshrl.u32 s11, $0x1D  }
0x110: {  	s11 =	sadd.s32 s11, s20  }
0x111: {  	s11 =	sand.u32 $0x1FFF8, s11  }
0x112: {  	s11 =	ssub.s32 s20, s11  }
0x113: {  	s11 =	sshll.u32 s11, $0xF  }
0x114: {  	s9 =	sshll.u32 s8, $0x8;
	s11 =	sshra.s32 s11, $0x2  }
0x115: {  	s15 =	sshll.u32 s8, $0x7;
	s14 =	sor.u32 $0x980, s11;
	s11 =	sand.u32 $0xFFFFF800, s9  }
0x116: {  	s16 =	sand.u32 $0x380, s15;
	s8 =	sadd.s32 s11, s14  }
0x117: {  	s16 =	sadd.s32 s16, s8  }
0x118: {  	v19 =	vld [tilespmem:s16+$0x470]  }
0x119: {  	v21 =	vld [tilespmem:s16+$0x0]  }
0x11a: {  	v22 =	vld [tilespmem:s16+$0x10]  }
0x11b: {  	v23 =	vld [tilespmem:s16+$0x20]  }
0x11c: {  	v24 =	vld [tilespmem:s16+$0x30]  }
0x11d: {  	s21 =	ssub.s32 $0x0, s13;
	v25 =	vld [tilespmem:s16+$0x40]  }
0x11e: {  	s11 =	sadd.s32 $0x1, s21;
	v26 =	vld [tilespmem:s16+$0x50]  }
0x11f: {  	p0 =	seq.s32 s11, $0x0;
	v27 =	vld [tilespmem:s16+$0x60]  }
.Ltmp8:
0x120: {  	v20 =	vld [tilespmem:s16+$0x70];
	(pc) =	sbr.rel @p0 .LBB2_10-.Ltmp8, $4  }
0x121: {  	v3 =	vadd.f32 v19, v3;
	v18 =	vadd.f32 v21, v18;
	v19 =	vld [tilespmem:s16+$0x400]  }
0x122: {  	v17 =	vadd.f32 v22, v17;
	v16 =	vadd.f32 v23, v16;
	v21 =	vld [tilespmem:s16+$0x410]  }
0x123: {  	v15 =	vadd.f32 v24, v15;
	v14 =	vadd.f32 v25, v14;
	v22 =	vld [tilespmem:s16+$0x420]  }
0x124: {  	s8 =	sadd.s32 $0x100, s9;
	v13 =	vadd.f32 v26, v13;
	v12 =	vadd.f32 v27, v12;
	v23 =	vld [tilespmem:s16+$0x430]  }
.LBB2_9:
0x125: {  	s9 =	sand.u32 $0xFFFFF800, s8;
	s11 =	sadd.s32 $0x1, s11;
	v11 =	vadd.f32 v20, v11;
	v20 =	vld [tilespmem:s16+$0x440];
	s15 =	sadd.s32 $0x80, s15  }
0x126: {  	s21 =	sand.u32 $0x380, s15;
	s9 =	sadd.s32 s9, s14;
	p0 =	seq.s32 s11, $0x0;
	v10 =	vadd.f32 v19, v10;
	v19 =	vld [tilespmem:s16+$0x450]  }
0x127: {  	v9 =	vadd.f32 v21, v9;
	v21 =	vld [tilespmem:s16+$0x460];
	s16 =	sadd.s32 s21, s9  }
0x128: {  	v24 =	vld [tilespmem:s16+$0x470];
	v8 =	vadd.f32 v22, v8  }
0x129: {  	v22 =	vld [tilespmem:s16+$0x0];
	v7 =	vadd.f32 v23, v7  }
0x12a: {  	v23 =	vld [tilespmem:s16+$0x10];
	v6 =	vadd.f32 v20, v6  }
0x12b: {  	v20 =	vld [tilespmem:s16+$0x20];
	v5 =	vadd.f32 v19, v5  }
0x12c: {  	v19 =	vld [tilespmem:s16+$0x30];
	v4 =	vadd.f32 v21, v4  }
0x12d: {  	v21 =	vld [tilespmem:s16+$0x40];
	v3 =	vadd.f32 v24, v3  }
0x12e: {  	v18 =	vadd.f32 v22, v18;
	v22 =	vld [tilespmem:s16+$0x50]  }
0x12f: {  	v17 =	vadd.f32 v23, v17;
	v23 =	vld [tilespmem:s16+$0x60]  }
.Ltmp9:
0x130: {  	v16 =	vadd.f32 v20, v16;
	v20 =	vld [tilespmem:s16+$0x70];
	(pc) =	sbr.rel @!p0 .LBB2_9-.Ltmp9, $4  }
0x131: {  	v15 =	vadd.f32 v19, v15;
	v19 =	vld [tilespmem:s16+$0x400]  }
0x132: {  	v14 =	vadd.f32 v21, v14;
	v21 =	vld [tilespmem:s16+$0x410]  }
0x133: {  	v13 =	vadd.f32 v22, v13;
	v22 =	vld [tilespmem:s16+$0x420]  }
0x134: {  	s8 =	sadd.s32 $0x100, s8;
	v12 =	vadd.f32 v23, v12;
	v23 =	vld [tilespmem:s16+$0x430]  }
.LBB2_10:
0x135: {  	v24 =	vld [tilespmem:s16+$0x440]  }
0x136: {  	v25 =	vld [tilespmem:s16+$0x450]  }
0x137: {  	v26 =	vld [tilespmem:s16+$0x460];
	_ =	sdelay $0x1  }
0x138: {  	v11 =	vadd.f32 v20, v11;
	v10 =	vadd.f32 v19, v10  }
0x139: {  	v9 =	vadd.f32 v21, v9;
	v8 =	vadd.f32 v22, v8  }
0x13a: {  	v7 =	vadd.f32 v23, v7;
	v6 =	vadd.f32 v24, v6  }
0x13b: {  	v5 =	vadd.f32 v25, v5;
	v4 =	vadd.f32 v26, v4  }
.LBB2_11:
0x13c: {  	s26 =	sadd.s32 s26, s13  }
0x13d: {  	p1 =	sge.s32 s17, s7;
	p0 =	slt.s32 s26, s0  }
0x13e: {  	p0 =	por p1, p0  }
0x13f: {  	s8 =	sshra.s32 @!p0 s17, $0x1F;
	s9 =	ssub.s32 @!p0 s0, s18  }
0x140: {  	s8 =	sshrl.u32 @!p0 s8, $0x1E;
	s9 =	scvt.s32.f32 @!p0 s9  }
0x141: {  	s8 =	sadd.s32 @!p0 s8, s17  }
0x142: {  	p1 =	slt.s32 @!p0 s17, $0x4;
	s8 =	sand.u32 @!p0 $0xFFFFFFFC, s8;
	v19 =	vmov @!p0 s9  }
0x143: {  	p1 =	por p1, p0;
	s8 =	ssub.s32 @!p0 s17, s8;
	v19 =	vmax.f32 @!p0 v19, $1.000000000e+00  }
0x144: {  	s9 =	sadd.s32 @!p1 $0x9, s8;
	v19 =	vbroadcast @!p0 v19, $0x0  }
0x145: {  	_ =	swait.ge @!p1 [sflag:s9], $0x100  }
0x146: {  	(erf) = vrcp.f32 @!p0 v19;
	_ =	sdelay $0x8  }
0x147: {  	v19 =	vpop @!p0 (erf)  }
0x148: {  	s11 =	sshll.u32 @!p0 s8, $0xA;
	[sflag:s9] =	ssyncset.done @!p1 $0x0;
	v20 =	vmul.f32 @!p0 v18, v19  }
0x149: {  	[sflag:s9] =	ssyncadd.s32 @!p1 $0xFFFFFF00;
	s9 =	sshra.s32 @!p0 s11, $0x2;
	v21 =	vmul.f32 @!p0 v17, v19  }
0x14a: {  	[tilespmem:s9+$0x10980] =	vst @!p0 v20;
	v20 =	vmul.f32 @!p0 v16, v19  }
0x14b: {  	[tilespmem:s9+$0x10990] =	vst @!p0 v21;
	v21 =	vmul.f32 @!p0 v15, v19  }
0x14c: {  	[tilespmem:s9+$0x109A0] =	vst @!p0 v20;
	v20 =	vmul.f32 @!p0 v14, v19  }
0x14d: {  	[tilespmem:s9+$0x109B0] =	vst @!p0 v21;
	v21 =	vmul.f32 @!p0 v13, v19  }
0x14e: {  	[tilespmem:s9+$0x109C0] =	vst @!p0 v20;
	v20 =	vmul.f32 @!p0 v12, v19  }
0x14f: {  	[tilespmem:s9+$0x109D0] =	vst @!p0 v21;
	v21 =	vmul.f32 @!p0 v11, v19  }
0x150: {  	[tilespmem:s9+$0x109E0] =	vst @!p0 v20;
	v20 =	vmul.f32 @!p0 v10, v19  }
0x151: {  	[tilespmem:s9+$0x109F0] =	vst @!p0 v21;
	v21 =	vmul.f32 @!p0 v9, v19  }
0x152: {  	[tilespmem:s9+$0x10A00] =	vst @!p0 v20;
	v20 =	vmul.f32 @!p0 v8, v19  }
0x153: {  	[tilespmem:s9+$0x10A10] =	vst @!p0 v21;
	v21 =	vmul.f32 @!p0 v7, v19  }
0x154: {  	s11 =	sadd.s32 @!p0 s5, s17;
	[tilespmem:s9+$0x10A20] =	vst @!p0 v20;
	v20 =	vmul.f32 @!p0 v6, v19  }
0x155: {  	s13 =	sadd.s32 $0x1, s20;
	s14 =	sshll.u32 @!p0 s17, $0x7;
	s11 =	sshll.u32 @!p0 s11, $0x8;
	[tilespmem:s9+$0x10A30] =	vst @!p0 v21;
	v21 =	vmul.f32 @!p0 v5, v19  }
0x156: {  	p4 =	sge.s32 s26, s28;
	s14 =	sand.u32 @!p0 $0x380, s14;
	s11 =	sand.u32 @!p0 $0xFFFFF800, s11;
	[tilespmem:s9+$0x10A40] =	vst @!p0 v20;
	v20 =	vmul.f32 @!p0 v4, v19  }
0x157: {  	p2 =	slt.s32 s13, s30;
	s15 =	simm.s32 @!p0 $0x400;
	s11 =	sor.u32 @!p0 s14, s11;
	[tilespmem:s9+$0x10A50] =	vst @!p0 v21;
	v19 =	vmul.f32 @!p0 v3, v19  }
0x158: {  	s8 =	sadd.s32 @!p0 $0x9, s8;
	p1 =	por !p2, !p4;
	s11 =	sshrl.u32 @!p0 s11, $0x3;
	[tilespmem:s9+$0x10A60] =	vst @!p0 v20  }
0x159: {  	s14 =	sadd.s32 @!p0 $0x10980, s9;
	[tilespmem:s9+$0x10A70] =	vst @!p0 v19;
	s9 =	sadd.s32 @!p0 s3, s11;
	s11 =	simm.s32 @!p0 $0x80  }
0x15a: {  	[hbm4b:s9+s11] =	stream.strided.scatter @!p0 [tilespmem:s14], [sflag:s8], $0x100, s15, s11, $0x38;
	[tilespmem:$0x10D80] =	vst v63  }
0x15b: {  	p1 =	por !p1, !p1;
	s8 =	sadd.s32 $0x7, s20  }
0x15c: {  	s28 =	sadd.s32 $0x800, s29;
	p1 =	por !p0, !p1;
	s21 =	sshll.u32 s8, $0x5  }
0x15d: {  	p3 =	por !p1, !p1;
	p5 =	slt.s32 s8, s30;
	s11 =	sadd.s32 s2, s21  }
.Ltmp10:
0x15e: {  	p1 =	por !p5, !p3;
	s9 =	sadd.s32 $0x20, s11;
	(pc) =	sbr.rel @!p3 .LBB2_13-.Ltmp10, $4  }
0x15f: {  	p1 =	por !p1, !p1;
	p6 =	sgt.s32 s9, s28  }
0x160: {  	p2 =	por !p6, !p1  }
0x161: {  	p2 =	por !p2, !p2  }
0x162: {  	s29 =	smov.u32 @p2 s11  }
0x163: {  	p2 =	por !p2, !p1  }
0x164: {  	s9 =	sshrl.u32 @!p2 s11, $0x3  }
0x165: {  	s14 =	simm.s32 @!p2 $0x0;
	s15 =	simm.s32 @!p2 $0x180;
	s9 =	sadd.s32 @!p2 s6, s9  }
0x166: {  	[tilespmem:s15], [sflag:$0xD] =	stream.linear.gather @!p2 [hbm4b:s9+s14], $0x800, $0x38;
	[tilespmem:$0x10D80] =	vst v63  }
0x167: {  	s9 =	simm.s32 @!p2 $0xD  }
0x168: {  	_ =	swait.ge @!p2 [sflag:s9], $0x800  }
0x169: {  	[sflag:s9] =	ssyncset.done @!p2 $0x0  }
0x16a: {  	[sflag:s9] =	ssyncadd.s32 @!p2 $0xFFFFF800;
	s9 =	ssub.s32 @p1 s11, s29  }
0x16b: {  	v19 =	vld @p1 [tilespmem:s9+$0x180];
	_ =	sdelay $0x4  }
0x16c: {  	v20 =	vshll.u32 @p1 v19, $0x1  }
0x16d: {  	v21 =	vlaneseq.u32 @p1;
	v19 =	vand.u32 @p1 $0x7, v19;
	v20 =	vand.u32 @p1 $0xFFFFFFF0, v20  }
0x16e: {  	v22 =	vshrl.u32 @p1 v21, $0x3;
	s11 =	sshra.s32 @p1 s8, $0x1F;
	v19 =	vor.u32 @p1 v19, v20;
	v20 =	vand.u32 @p1 $0x7, v21  }
0x16f: {  	v22 =	vmul.u32 @p1 $0x8, v22;
	s11 =	sshrl.u32 @p1 s11, $0x1D;
	v23 =	vperm.xlane @p1 v19, v20  }
0x170: {  	s11 =	sadd.s32 @p1 s11, s8;
	v21 =	vor.u32 @p1 $0x8, v21  }
0x171: {  	s11 =	sand.u32 @p1 $0xFFFFFFF8, s11;
	v19 =	vperm.xlane @p1 v19, v21;
	v23 =	vadd.s32 @p1 v22, v23  }
0x172: {  	s8 =	ssub.s32 @p1 s8, s11  }
0x173: {  	s11 =	sshll.u32 @p1 s8, $0xF;
	v19 =	vadd.s32 @p1 v22, v19  }
0x174: {  	s11 =	sshra.s32 @p1 s11, $0x2  }
0x175: {  	vm1 =	vmmov @p1 $0xffff;
	s15 =	simm.s32 @p1 $0x0;
	s8 =	sadd.s32 @p1 $0x1, s8;
	s14 =	sor.u32 @p1 $0x980, s11  }
0x176: {  	[tilespmem:s14], [sflag:s8] =	stream.indirect_vreg.gather @p1 [hbm4b:s1+s15], $0x80, v23, vm1, $0xb8;
	[tilespmem:$0x10D80] =	vst v63  }
0x177: {  	s14 =	sor.u32 @p1 $0x1180, s11  }
0x178: {  	[tilespmem:s14], [sflag:s8] =	stream.indirect_vreg.gather @p1 [hbm4b:s1+s15], $0x80, v19, vm1, $0xb8;
	[tilespmem:$0x10D80] =	vst v63  }
0x179: {  	v19 =	vld @p1 [tilespmem:s9+$0x190];
	_ =	sdelay $0x4  }
0x17a: {  	v23 =	vshll.u32 @p1 v19, $0x1  }
0x17b: {  	v19 =	vand.u32 @p1 $0x7, v19;
	v23 =	vand.u32 @p1 $0xFFFFFFF0, v23  }
0x17c: {  	v19 =	vor.u32 @p1 v19, v23  }
0x17d: {  	v20 =	vperm.xlane @p1 v19, v20;
	_ =	sdelay $0x1  }
0x17e: {  	v19 =	vperm.xlane @p1 v19, v21;
	v20 =	vadd.s32 @p1 v22, v20;
	_ =	sdelay $0x1  }
0x17f: {  	v19 =	vadd.s32 @p1 v22, v19;
	_ =	sdelay $0x1  }
0x180: {  	s9 =	sor.u32 @p1 $0x1980, s11  }
0x181: {  	[tilespmem:s9], [sflag:s8] =	stream.indirect_vreg.gather @p1 [hbm4b:s1+s15], $0x80, v20, vm1, $0xb8;
	[tilespmem:$0x10D80] =	vst v63  }
0x182: {  	s28 =	sshra.s32 s13, $0x1F;
	s9 =	sadd.s32 @p1 $0x2180, s11  }
0x183: {  	[tilespmem:s9], [sflag:s8] =	stream.indirect_vreg.gather @p1 [hbm4b:s1+s15], $0x80, v19, vm1, $0xb8;
	[tilespmem:$0x10D80] =	vst v63  }
0x184: {  	s8 =	sshrl.u32 s28, $0x1D  }
0x185: {  	s8 =	sadd.s32 s8, s13  }
0x186: {  	s8 =	sand.u32 $0xFFFFFFF8, s8  }
.Ltmp11:
0x187: {  	s8 =	ssub.s32 s13, s8;
	(pc) =	sbr.rel .LBB2_13-.Ltmp11, $4  }
0x188: {  	s8 =	sadd.s32 $0x1, s8  }
0x189: {  	_ =	swait.ge [sflag:s8], $0x2000  }
0x18a: {  	[sflag:s8] =	ssyncset.done $0x0  }
0x18b: {  	s20 =	smov.u32 s13;
	[sflag:s8] =	ssyncadd.s32 $0xFFFFE000  }
.LBB2_15:
0x18c: {  	_ =	sfence.sel $0x180000  }
0x18d: {  	[bflag:$0x0] =	sbarrier.arrive $0xFFFF  }
0x18e: {  	_ =	strace $0x90000047  }
0x18f: {  	s0 =	stileid.u32;
	[bflag:$0x2] =	sbarrier.arrive $0xFFFF  }
0x190: {  	p0 =	sne.s32 s0, $0x0;
	s0 =	rddreg [dreg:$0x3]  }
0x191: {  	s0 =	sadd.s32 @!p0 $0x100000, s0  }
0x192: {  	[sflag:s0] =	ssyncadd.tile.s32 @!p0 $0x1;
	_ =	shalt  }
.Lfunc_end2:
_tile_overlayer_lowered:
.L_overlay_start_2:
0x193: {  	(tag) =	ssettag $0x2  }
0x194: {  	s0 =	rddreg [dreg:$0x0];
	s2 =	stileid.u32  }
0x195: {  	s1 =	rddreg [dreg:$0x1];
	p0 =	sne.s32 s2, $0x0  }
0x196: {  	s3 =	rddreg [dreg:$0x2];
	[bflag:$0x3] =	sbarrier.arrive $0xFFFF;
	s2 =	simm.s32 @!p0 $0x1C0D  }
0x197: {  	[timem:s3], [sflag:s2] =	dma.local @!p0 [hbm:s0], s1  }
0x198: {  	s0 =	simm.s32 @!p0 $0xD  }
0x199: {  	_ =	swait.ge @!p0 [sflag:s0], s1  }
0x19a: {  	s1 =	ssub.s32 @!p0 $0x0, s1;
	[sflag:s0] =	ssyncset.done @!p0 $0x0  }
0x19b: {  	[sflag:s0] =	ssyncadd.s32 @!p0 s1  }
0x19c: {  	[bflag:$0x3] =	sbarrier.arrive $0xFFFF  }
0x19d: {  	_ =	shalt  }

</sc_bundles>
